<compile_context>
chip_gen: v7x
topology: tpu7x:2x2x1
jax: 0.10.2.dev20260603
libtpu: 0.0.44.dev20260713+nightly
codegen_flags: <defaults>
</compile_context>

<pallas_src>
import functools

import jax
import jax.numpy as jnp
from jax import lax
from jax.experimental import pallas as pl
from jax.experimental.pallas import tpu as pltpu
from jax.experimental.pallas import tpu_sc as plsc

NUM_CORES = 2
NUM_SUBCORES = 16
LANES = 16
NW = NUM_CORES * NUM_SUBCORES
UNROLL = 7


@functools.partial(jax.jit, static_argnames=("chunk", "last_chunk", "g"))
def _sc_partials(x, seg, agg_type, w, *, chunk, last_chunk, g):
    nvec = chunk // LANES
    last_nvec = last_chunk // LANES
    mesh = plsc.VectorSubcoreMesh(
        core_axis_name="c", subcore_axis_name="s",
        num_cores=NUM_CORES, num_subcores=NUM_SUBCORES,
    )

    @functools.partial(
        pl.kernel,
        out_type=jax.ShapeDtypeStruct((NW, g), jnp.float32),
        mesh=mesh,
        compiler_params=pltpu.CompilerParams(needs_layout_passes=False),
        scratch_types=[
            pltpu.VMEM((chunk,), jnp.float32),
            pltpu.VMEM((chunk,), jnp.float32),
            pltpu.VMEM((chunk,), jnp.int32),
            pltpu.VMEM((g,), jnp.int32),
            pltpu.VMEM((LANES * (g + 1),), jnp.float32),
            pltpu.VMEM((g,), jnp.float32),
            pltpu.SemaphoreType.DMA,
            pltpu.SemaphoreType.DMA,
            pltpu.SemaphoreType.DMA,
            pltpu.SemaphoreType.DMA,
        ],
    )
    def sc_kernel(x_hbm, seg_hbm, at_hbm, w_hbm, out_hbm,
                  xv, wv, segv, atv, accv, outv,
                  sem_s, sem_x, sem_w, sem_a):
        wid = lax.axis_index("s") * NUM_CORES + lax.axis_index("c")
        base = wid * chunk
        is_last = wid == NW - 1
        pad_nvec = -(-last_nvec // UNROLL) * UNROLL
        pad_lo = last_nvec * LANES
        pad_n = (pad_nvec - last_nvec) * LANES

        cps = []
        cp_at = pltpu.async_copy(at_hbm, atv, sem_a)

        @pl.when(is_last)
        def _():
            cps.append(pltpu.async_copy(
                seg_hbm.at[pl.ds(base, last_chunk)],
                segv.at[pl.ds(0, last_chunk)], sem_s))
            cps.append(pltpu.async_copy(
                x_hbm.at[pl.ds(base, last_chunk)],
                xv.at[pl.ds(0, last_chunk)], sem_x))
            cps.append(pltpu.async_copy(
                w_hbm.at[pl.ds(base, last_chunk)],
                wv.at[pl.ds(0, last_chunk)], sem_w))

        @pl.when(jnp.logical_not(is_last))
        def _():
            cps.append(pltpu.async_copy(
                seg_hbm.at[pl.ds(base, chunk)], segv, sem_s))
            cps.append(pltpu.async_copy(x_hbm.at[pl.ds(base, chunk)], xv, sem_x))
            cps.append(pltpu.async_copy(w_hbm.at[pl.ds(base, chunk)], wv, sem_w))

        zeros = jnp.zeros((LANES,), jnp.float32)

        def zero_out_body(i, _):
            for u in range(4):
                outv[pl.ds((i * 4 + u) * LANES, LANES)] = zeros
            return _
        lax.fori_loop(0, g // (4 * LANES), zero_out_body, None)

        @pl.when(is_last)
        def _():
            cps[0].wait()
            cps[1].wait()
            cps[2].wait()
            izeros = jnp.zeros((LANES,), jnp.int32)
            for u in range(pad_n // LANES):
                segv[pl.ds(pad_lo + u * LANES, LANES)] = izeros
                xv[pl.ds(pad_lo + u * LANES, LANES)] = zeros
                wv[pl.ds(pad_lo + u * LANES, LANES)] = zeros

        @pl.when(jnp.logical_not(is_last))
        def _():
            cps[3].wait()

        my_nvec = jnp.where(is_last, pad_nvec, nvec)
        my_len = jnp.where(is_last, last_chunk, chunk)

        g_first = segv[pl.ds(0, LANES)][0]
        g_last = segv[pl.ds(my_len - LANES, LANES)][LANES - 1]
        v_first = g_first // LANES
        v_count = g_last // LANES + 1 - v_first

        def zero_body(i, _):
            off = (v_first + i) * LANES
            for r in range(LANES):
                accv[pl.ds(r * (g + 1) + off, LANES)] = zeros
            return _
        lax.fori_loop(0, v_count, zero_body, None)

        @pl.when(jnp.logical_not(is_last))
        def _():
            cps[4].wait()
            cps[5].wait()

        cp_at.wait()

        lane = lax.iota(jnp.int32, LANES)

        stream_len = my_nvec // UNROLL

        def main_body(i, _):
            ds = [pl.ds((u * stream_len + i) * LANES, LANES) for u in range(UNROLL)]
            ss = [segv[d] for d in ds]
            ts = [plsc.load_gather(atv, [s]) for s in ss]
            xs = [xv[d] for d in ds]
            ws = [wv[d] for d in ds]
            vals = []
            for u in range(UNROLL):
                nz = jnp.where(xs[u] != 0.0, 1.0, 0.0).astype(jnp.float32)
                vals.append(jnp.where(ts[u] == 0, nz,
                                      jnp.where(ts[u] == 1, xs[u],
                                                xs[u] * ws[u])))
            for u in range(UNROLL):
                plsc.addupdate_scatter(accv, [lane * (g + 1) + ss[u]], vals[u])
            return _
        lax.fori_loop(0, stream_len, main_body, None)

        def fold_body(i, _):
            off = (v_first + i) * LANES
            v = accv[pl.ds(off, LANES)]
            for r in range(1, LANES):
                v = v + accv[pl.ds(r * (g + 1) + off, LANES)]
            outv[pl.ds(off, LANES)] = v
            return _
        lax.fori_loop(0, v_count, fold_body, None)

        pltpu.sync_copy(outv, out_hbm.at[wid])

    return sc_kernel(x, seg, agg_type, w)


def _tc_combine(partials, agg_type, b):
    def tc_kernel(p_ref, t_ref, b_ref, o_ref):
        s = jnp.sum(p_ref[...], axis=0)
        t = t_ref[...]
        o_ref[...] = jnp.where(
            t == 0, (s > 0.0).astype(jnp.float32),
            jnp.where(t == 1, s, s + b_ref[...]))

    return pl.pallas_call(
        tc_kernel,
        out_shape=jax.ShapeDtypeStruct(agg_type.shape, jnp.float32),
    )(partials, agg_type, b)


def kernel(x, segment_ids, agg_type, w, b):
    n = x.shape[0]
    g = agg_type.shape[0]
    chunk = -(-n // (NW * LANES)) * LANES
    last_chunk = n - chunk * (NW - 1)
    partials = _sc_partials(x.astype(jnp.float32),
                            segment_ids.astype(jnp.int32),
                            agg_type.astype(jnp.int32),
                            w.astype(jnp.float32),
                            chunk=chunk, last_chunk=last_chunk, g=g)
    return _tc_combine(partials, agg_type.astype(jnp.int32),
                       b.astype(jnp.float32))

# --- scband reference (transcript-rebuilt; emitter-appended) ---
"""Pipeline reference for scband-aggregate-representation-41815801594421 (READ-ONLY COPY).

The authoritative reference and input builder live on the scoring server;
editing this copy changes nothing except your own understanding.
"""

import jax, jax.numpy as jnp
import numpy as np

N = 100000
G = 1024

def setup_inputs(seed: int = 0) -> dict:
    key = jax.random.key(seed)
    k1, k2, k3, k4, k5 = jax.random.split(key, 5)
    x = jax.random.normal(k1, (N,), dtype=jnp.float32)
    segment_ids = jnp.sort(jax.random.randint(k2, (N,), 0, G))
    agg_type = jax.random.randint(k3, (G,), 0, 3)  # 0=or, 1=sum, 2=w_sum
    w = jax.random.normal(k4, (N,), dtype=jnp.float32)  # WeightedSum linear weights, flattened per-code
    b = jax.random.normal(k5, (G,), dtype=jnp.float32)  # WeightedSum per-group bias
    return {"x": x, "segment_ids": segment_ids, "agg_type": agg_type, "w": w, "b": b}

def reference(x, segment_ids, agg_type, w, b):
    # AggregateRepresentation: each group g reduces its subset of codes.
    # Subsets are the contiguous (sorted) index ranges induced by segment_ids,
    # which is equivalent to the per-group gather x[subset] in the original.
    nonzero = (x != 0).astype(jnp.float32)
    # OR: jnp.any(x[subset]) * 1.0
    or_g = (jax.ops.segment_max(nonzero, segment_ids, num_segments=G) > 0).astype(jnp.float32)
    # Sum: jnp.sum(x[subset])
    sum_g = jax.ops.segment_sum(x, segment_ids, num_segments=G)
    # WeightedSum: linear(x[subset]) = sum(w_subset * x[subset]) + b_g
    wsum_g = jax.ops.segment_sum(x * w, segment_ids, num_segments=G) + b
    # hstack of per-group scalars, ordered by target-scheme group index
    out = jnp.where(agg_type == 0, or_g, jnp.where(agg_type == 1, sum_g, wsum_g))
    return out

if __name__ == "__main__":
    import jax
    _d = setup_inputs()
    print(jax.jit(kernel)(*tuple(_d.values())))

</pallas_src>

<mosaic_0001>
#map = affine_map<(d0, d1) -> (0)>
#map1 = affine_map<(d0, d1) -> (0, 0)>
module attributes {stable_mosaic.version = 14 : i64} {
  func.func @sc_kernel(%arg0: i32, %arg1: i32, %arg2: memref<100000xf32, #tpu.memory_space<hbm>>, %arg3: memref<100000xi32, #tpu.memory_space<hbm>>, %arg4: memref<1024xi32, #tpu.memory_space<hbm>>, %arg5: memref<100000xf32, #tpu.memory_space<hbm>>, %arg6: memref<32x1024xf32, #tpu.memory_space<hbm>>, %arg7: memref<3136xf32, #tpu.memory_space<vmem>>, %arg8: memref<3136xf32, #tpu.memory_space<vmem>>, %arg9: memref<3136xi32, #tpu.memory_space<vmem>>, %arg10: memref<1024xi32, #tpu.memory_space<vmem>>, %arg11: memref<16400xf32, #tpu.memory_space<vmem>>, %arg12: memref<1024xf32, #tpu.memory_space<vmem>>, %arg13: memref<!tpu.dma_semaphore, #tpu.memory_space<semaphore_mem>>, %arg14: memref<!tpu.dma_semaphore, #tpu.memory_space<semaphore_mem>>, %arg15: memref<!tpu.dma_semaphore, #tpu.memory_space<semaphore_mem>>, %arg16: memref<!tpu.dma_semaphore, #tpu.memory_space<semaphore_mem>>) attributes {dimension_semantics = [#tpu.dimension_semantics<core_parallel>, #tpu.dimension_semantics<subcore_parallel>], iteration_bounds = array<i64: 2, 16>, scalar_prefetch = 0 : i64, scratch_operands = 10 : i64, tpu.core_type = #tpu.core_type<sc_vector_subcore>, window_params = [{transform_indices = #map}, {transform_indices = #map}, {transform_indices = #map}, {transform_indices = #map}, {transform_indices = #map1}]} {
    %mul3A = arith.constant 2 : i32
    %mul3A_0 = arith.muli %arg1, %mul3A : i32
    %add3A = arith.addi %mul3A_0, %arg0 : i32
    %mul3A_1 = arith.constant 3136 : i32
    %mul3A_2 = arith.muli %add3A, %mul3A_1 : i32
    %eq3A = arith.constant 31 : i32
    %eq3A_3 = arith.cmpi eq, %add3A, %eq3A : i32
    tpu.enqueue_dma source(%arg4 : memref<1024xi32, #tpu.memory_space<hbm>>) target(%arg10 : memref<1024xi32, #tpu.memory_space<vmem>>) target_semaphore(%arg16 : memref<!tpu.dma_semaphore, #tpu.memory_space<semaphore_mem>>)
    %convert_element_type3A = arith.extui %eq3A_3 : i1 to i32
    %cond3A = arith.constant 0 : i32
    %cond3A_4 = arith.cmpi ne, %convert_element_type3A, %cond3A : i32
    scf.if %cond3A_4 {
      %dma_start3A = arith.constant 0 : i32
      %dma_start3A_133 = tpu.memref_slice %arg9[%dma_start3A] : memref<3136xi32, #tpu.memory_space<vmem>> -> memref<2784xi32, #tpu.memory_space<vmem>>
      %dma_start3A_134 = tpu.memref_slice %arg3[%mul3A_2] : memref<100000xi32, #tpu.memory_space<hbm>> -> memref<2784xi32, #tpu.memory_space<hbm>>
      %dma_start3A_135 = arith.constant 0 : i32
      %dma_start3A_136 = tpu.memref_slice %arg9[%dma_start3A_135] : memref<3136xi32, #tpu.memory_space<vmem>> -> memref<2784xi32, #tpu.memory_space<vmem>>
      %dma_start3A_137 = tpu.memref_slice %arg3[%mul3A_2] : memref<100000xi32, #tpu.memory_space<hbm>> -> memref<2784xi32, #tpu.memory_space<hbm>>
      tpu.enqueue_dma source(%dma_start3A_137 : memref<2784xi32, #tpu.memory_space<hbm>>) target(%dma_start3A_136 : memref<2784xi32, #tpu.memory_space<vmem>>) target_semaphore(%arg13 : memref<!tpu.dma_semaphore, #tpu.memory_space<semaphore_mem>>)
      %dma_start3A_138 = arith.constant 0 : i32
      %dma_start3A_139 = tpu.memref_slice %arg7[%dma_start3A_138] : memref<3136xf32, #tpu.memory_space<vmem>> -> memref<2784xf32, #tpu.memory_space<vmem>>
      %dma_start3A_140 = tpu.memref_slice %arg2[%mul3A_2] : memref<100000xf32, #tpu.memory_space<hbm>> -> memref<2784xf32, #tpu.memory_space<hbm>>
      %dma_start3A_141 = arith.constant 0 : i32
      %dma_start3A_142 = tpu.memref_slice %arg7[%dma_start3A_141] : memref<3136xf32, #tpu.memory_space<vmem>> -> memref<2784xf32, #tpu.memory_space<vmem>>
      %dma_start3A_143 = tpu.memref_slice %arg2[%mul3A_2] : memref<100000xf32, #tpu.memory_space<hbm>> -> memref<2784xf32, #tpu.memory_space<hbm>>
      tpu.enqueue_dma source(%dma_start3A_143 : memref<2784xf32, #tpu.memory_space<hbm>>) target(%dma_start3A_142 : memref<2784xf32, #tpu.memory_space<vmem>>) target_semaphore(%arg14 : memref<!tpu.dma_semaphore, #tpu.memory_space<semaphore_mem>>)
      %dma_start3A_144 = arith.constant 0 : i32
      %dma_start3A_145 = tpu.memref_slice %arg8[%dma_start3A_144] : memref<3136xf32, #tpu.memory_space<vmem>> -> memref<2784xf32, #tpu.memory_space<vmem>>
      %dma_start3A_146 = tpu.memref_slice %arg5[%mul3A_2] : memref<100000xf32, #tpu.memory_space<hbm>> -> memref<2784xf32, #tpu.memory_space<hbm>>
      %dma_start3A_147 = arith.constant 0 : i32
      %dma_start3A_148 = tpu.memref_slice %arg8[%dma_start3A_147] : memref<3136xf32, #tpu.memory_space<vmem>> -> memref<2784xf32, #tpu.memory_space<vmem>>
      %dma_start3A_149 = tpu.memref_slice %arg5[%mul3A_2] : memref<100000xf32, #tpu.memory_space<hbm>> -> memref<2784xf32, #tpu.memory_space<hbm>>
      tpu.enqueue_dma source(%dma_start3A_149 : memref<2784xf32, #tpu.memory_space<hbm>>) target(%dma_start3A_148 : memref<2784xf32, #tpu.memory_space<vmem>>) target_semaphore(%arg15 : memref<!tpu.dma_semaphore, #tpu.memory_space<semaphore_mem>>)
    } else {
    }
    %not3A = arith.constant true
    %not3A_5 = arith.xori %eq3A_3, %not3A : i1
    %convert_element_type3A_6 = arith.extui %not3A_5 : i1 to i32
    %cond3A_7 = arith.constant 0 : i32
    %cond3A_8 = arith.cmpi ne, %convert_element_type3A_6, %cond3A_7 : i32
    scf.if %cond3A_8 {
      %dma_start3A = tpu.memref_slice %arg3[%mul3A_2] : memref<100000xi32, #tpu.memory_space<hbm>> -> memref<3136xi32, #tpu.memory_space<hbm>>
      %dma_start3A_133 = tpu.memref_slice %arg3[%mul3A_2] : memref<100000xi32, #tpu.memory_space<hbm>> -> memref<3136xi32, #tpu.memory_space<hbm>>
      tpu.enqueue_dma source(%dma_start3A_133 : memref<3136xi32, #tpu.memory_space<hbm>>) target(%arg9 : memref<3136xi32, #tpu.memory_space<vmem>>) target_semaphore(%arg13 : memref<!tpu.dma_semaphore, #tpu.memory_space<semaphore_mem>>)
      %dma_start3A_134 = tpu.memref_slice %arg2[%mul3A_2] : memref<100000xf32, #tpu.memory_space<hbm>> -> memref<3136xf32, #tpu.memory_space<hbm>>
      %dma_start3A_135 = tpu.memref_slice %arg2[%mul3A_2] : memref<100000xf32, #tpu.memory_space<hbm>> -> memref<3136xf32, #tpu.memory_space<hbm>>
      tpu.enqueue_dma source(%dma_start3A_135 : memref<3136xf32, #tpu.memory_space<hbm>>) target(%arg7 : memref<3136xf32, #tpu.memory_space<vmem>>) target_semaphore(%arg14 : memref<!tpu.dma_semaphore, #tpu.memory_space<semaphore_mem>>)
      %dma_start3A_136 = tpu.memref_slice %arg5[%mul3A_2] : memref<100000xf32, #tpu.memory_space<hbm>> -> memref<3136xf32, #tpu.memory_space<hbm>>
      %dma_start3A_137 = tpu.memref_slice %arg5[%mul3A_2] : memref<100000xf32, #tpu.memory_space<hbm>> -> memref<3136xf32, #tpu.memory_space<hbm>>
      tpu.enqueue_dma source(%dma_start3A_137 : memref<3136xf32, #tpu.memory_space<hbm>>) target(%arg8 : memref<3136xf32, #tpu.memory_space<vmem>>) target_semaphore(%arg15 : memref<!tpu.dma_semaphore, #tpu.memory_space<semaphore_mem>>)
    } else {
    }
    %broadcast_in_dim3A = arith.constant 0.000000e+00 : f32
    %broadcast_in_dim3A_9 = vector.broadcast %broadcast_in_dim3A : f32 to vector<16xf32>
    %scan3A = arith.constant 0 : i32
    %scan3A_10 = arith.constant 16 : i32
    %scan3A_11 = arith.addi %scan3A, %scan3A_10 : i32
    %scan3A_12 = arith.constant 1 : i32
    scf.for %scan3A_133 = %scan3A to %scan3A_11 step %scan3A_12  : i32 {
      %mul3A_134 = arith.constant 4 : i32
      %mul3A_135 = arith.muli %scan3A_133, %mul3A_134 : i32
      %add3A_136 = arith.constant 0 : i32
      %add3A_137 = arith.addi %mul3A_135, %add3A_136 : i32
      %mul3A_138 = arith.constant 16 : i32
      %mul3A_139 = arith.muli %add3A_137, %mul3A_138 : i32
      %swap3A = arith.index_cast %mul3A_139 : i32 to index
      %swap3A_140 = tpu.vector_load %arg12[%swap3A] {strides = array<i32>} : memref<1024xf32, #tpu.memory_space<vmem>>, vector<16xf32>,
      tpu.vector_store %arg12[%swap3A], %broadcast_in_dim3A_9 {strides = array<i32>} : memref<1024xf32, #tpu.memory_space<vmem>>, vector<16xf32>,
      %mul3A_141 = arith.constant 4 : i32
      %mul3A_142 = arith.muli %scan3A_133, %mul3A_141 : i32
      %add3A_143 = arith.constant 1 : i32
      %add3A_144 = arith.addi %mul3A_142, %add3A_143 : i32
      %mul3A_145 = arith.constant 16 : i32
      %mul3A_146 = arith.muli %add3A_144, %mul3A_145 : i32
      %swap3A_147 = arith.index_cast %mul3A_146 : i32 to index
      %swap3A_148 = tpu.vector_load %arg12[%swap3A_147] {strides = array<i32>} : memref<1024xf32, #tpu.memory_space<vmem>>, vector<16xf32>,
      tpu.vector_store %arg12[%swap3A_147], %broadcast_in_dim3A_9 {strides = array<i32>} : memref<1024xf32, #tpu.memory_space<vmem>>, vector<16xf32>,
      %mul3A_149 = arith.constant 4 : i32
      %mul3A_150 = arith.muli %scan3A_133, %mul3A_149 : i32
      %add3A_151 = arith.constant 2 : i32
      %add3A_152 = arith.addi %mul3A_150, %add3A_151 : i32
      %mul3A_153 = arith.constant 16 : i32
      %mul3A_154 = arith.muli %add3A_152, %mul3A_153 : i32
      %swap3A_155 = arith.index_cast %mul3A_154 : i32 to index
      %swap3A_156 = tpu.vector_load %arg12[%swap3A_155] {strides = array<i32>} : memref<1024xf32, #tpu.memory_space<vmem>>, vector<16xf32>,
      tpu.vector_store %arg12[%swap3A_155], %broadcast_in_dim3A_9 {strides = array<i32>} : memref<1024xf32, #tpu.memory_space<vmem>>, vector<16xf32>,
      %mul3A_157 = arith.constant 4 : i32
      %mul3A_158 = arith.muli %scan3A_133, %mul3A_157 : i32
      %add3A_159 = arith.constant 3 : i32
      %add3A_160 = arith.addi %mul3A_158, %add3A_159 : i32
      %mul3A_161 = arith.constant 16 : i32
      %mul3A_162 = arith.muli %add3A_160, %mul3A_161 : i32
      %swap3A_163 = arith.index_cast %mul3A_162 : i32 to index
      %swap3A_164 = tpu.vector_load %arg12[%swap3A_163] {strides = array<i32>} : memref<1024xf32, #tpu.memory_space<vmem>>, vector<16xf32>,
      tpu.vector_store %arg12[%swap3A_163], %broadcast_in_dim3A_9 {strides = array<i32>} : memref<1024xf32, #tpu.memory_space<vmem>>, vector<16xf32>,
    }
    %scan3A_13 = arith.constant 16 : i32
    %convert_element_type3A_14 = arith.extui %eq3A_3 : i1 to i32
    %cond3A_15 = arith.constant 0 : i32
    %cond3A_16 = arith.cmpi ne, %convert_element_type3A_14, %cond3A_15 : i32
    scf.if %cond3A_16 {
      %dma_wait3A = arith.constant 0 : i32
      %dma_wait3A_133 = tpu.memref_slice %arg9[%dma_wait3A] : memref<3136xi32, #tpu.memory_space<vmem>> -> memref<2784xi32, #tpu.memory_space<vmem>>
      %dma_wait3A_134 = tpu.memref_slice %arg3[%mul3A_2] : memref<100000xi32, #tpu.memory_space<hbm>> -> memref<2784xi32, #tpu.memory_space<hbm>>
      %dma_wait3A_135 = arith.constant 0 : i32
      %dma_wait3A_136 = tpu.memref_slice %arg9[%dma_wait3A_135] : memref<3136xi32, #tpu.memory_space<vmem>> -> memref<2784xi32, #tpu.memory_space<vmem>>
      %dma_wait3A_137 = tpu.memref_slice %arg3[%mul3A_2] : memref<100000xi32, #tpu.memory_space<hbm>> -> memref<2784xi32, #tpu.memory_space<hbm>>
      tpu.wait_dma2 semaphore(%arg13 : memref<!tpu.dma_semaphore, #tpu.memory_space<semaphore_mem>>) src(%dma_wait3A_137 : memref<2784xi32, #tpu.memory_space<hbm>>) dst(%dma_wait3A_136 : memref<2784xi32, #tpu.memory_space<vmem>>)
      %dma_wait3A_138 = arith.constant 0 : i32
      %dma_wait3A_139 = tpu.memref_slice %arg7[%dma_wait3A_138] : memref<3136xf32, #tpu.memory_space<vmem>> -> memref<2784xf32, #tpu.memory_space<vmem>>
      %dma_wait3A_140 = tpu.memref_slice %arg2[%mul3A_2] : memref<100000xf32, #tpu.memory_space<hbm>> -> memref<2784xf32, #tpu.memory_space<hbm>>
      %dma_wait3A_141 = arith.constant 0 : i32
      %dma_wait3A_142 = tpu.memref_slice %arg7[%dma_wait3A_141] : memref<3136xf32, #tpu.memory_space<vmem>> -> memref<2784xf32, #tpu.memory_space<vmem>>
      %dma_wait3A_143 = tpu.memref_slice %arg2[%mul3A_2] : memref<100000xf32, #tpu.memory_space<hbm>> -> memref<2784xf32, #tpu.memory_space<hbm>>
      tpu.wait_dma2 semaphore(%arg14 : memref<!tpu.dma_semaphore, #tpu.memory_space<semaphore_mem>>) src(%dma_wait3A_143 : memref<2784xf32, #tpu.memory_space<hbm>>) dst(%dma_wait3A_142 : memref<2784xf32, #tpu.memory_space<vmem>>)
      %dma_wait3A_144 = arith.constant 0 : i32
      %dma_wait3A_145 = tpu.memref_slice %arg8[%dma_wait3A_144] : memref<3136xf32, #tpu.memory_space<vmem>> -> memref<2784xf32, #tpu.memory_space<vmem>>
      %dma_wait3A_146 = tpu.memref_slice %arg5[%mul3A_2] : memref<100000xf32, #tpu.memory_space<hbm>> -> memref<2784xf32, #tpu.memory_space<hbm>>
      %dma_wait3A_147 = arith.constant 0 : i32
      %dma_wait3A_148 = tpu.memref_slice %arg8[%dma_wait3A_147] : memref<3136xf32, #tpu.memory_space<vmem>> -> memref<2784xf32, #tpu.memory_space<vmem>>
      %dma_wait3A_149 = tpu.memref_slice %arg5[%mul3A_2] : memref<100000xf32, #tpu.memory_space<hbm>> -> memref<2784xf32, #tpu.memory_space<hbm>>
      tpu.wait_dma2 semaphore(%arg15 : memref<!tpu.dma_semaphore, #tpu.memory_space<semaphore_mem>>) src(%dma_wait3A_149 : memref<2784xf32, #tpu.memory_space<hbm>>) dst(%dma_wait3A_148 : memref<2784xf32, #tpu.memory_space<vmem>>)
      %broadcast_in_dim3A_150 = arith.constant 0 : i32
      %broadcast_in_dim3A_151 = vector.broadcast %broadcast_in_dim3A_150 : i32 to vector<16xi32>
      %swap3A = arith.constant 2784 : index
      %swap3A_152 = tpu.vector_load %arg9[%swap3A] {strides = array<i32>} : memref<3136xi32, #tpu.memory_space<vmem>>, vector<16xi32>,
      tpu.vector_store %arg9[%swap3A], %broadcast_in_dim3A_151 {strides = array<i32>} : memref<3136xi32, #tpu.memory_space<vmem>>, vector<16xi32>,
      %swap3A_153 = arith.constant 2784 : index
      %swap3A_154 = tpu.vector_load %arg7[%swap3A_153] {strides = array<i32>} : memref<3136xf32, #tpu.memory_space<vmem>>, vector<16xf32>,
      tpu.vector_store %arg7[%swap3A_153], %broadcast_in_dim3A_9 {strides = array<i32>} : memref<3136xf32, #tpu.memory_space<vmem>>, vector<16xf32>,
      %swap3A_155 = arith.constant 2784 : index
      %swap3A_156 = tpu.vector_load %arg8[%swap3A_155] {strides = array<i32>} : memref<3136xf32, #tpu.memory_space<vmem>>, vector<16xf32>,
      tpu.vector_store %arg8[%swap3A_155], %broadcast_in_dim3A_9 {strides = array<i32>} : memref<3136xf32, #tpu.memory_space<vmem>>, vector<16xf32>,
    } else {
    }
    %not3A_17 = arith.constant true
    %not3A_18 = arith.xori %eq3A_3, %not3A_17 : i1
    %convert_element_type3A_19 = arith.extui %not3A_18 : i1 to i32
    %cond3A_20 = arith.constant 0 : i32
    %cond3A_21 = arith.cmpi ne, %convert_element_type3A_19, %cond3A_20 : i32
    scf.if %cond3A_21 {
      %dma_wait3A = tpu.memref_slice %arg3[%mul3A_2] : memref<100000xi32, #tpu.memory_space<hbm>> -> memref<3136xi32, #tpu.memory_space<hbm>>
      %dma_wait3A_133 = tpu.memref_slice %arg3[%mul3A_2] : memref<100000xi32, #tpu.memory_space<hbm>> -> memref<3136xi32, #tpu.memory_space<hbm>>
      tpu.wait_dma2 semaphore(%arg13 : memref<!tpu.dma_semaphore, #tpu.memory_space<semaphore_mem>>) src(%dma_wait3A_133 : memref<3136xi32, #tpu.memory_space<hbm>>) dst(%arg9 : memref<3136xi32, #tpu.memory_space<vmem>>)
    } else {
    }
    %jit3A = arith.constant 175 : i32
    %jit3A_22 = arith.constant 196 : i32
    %select_n3A = arith.select %eq3A_3, %jit3A, %jit3A_22 : i32
    %jit3A_23 = arith.constant 2784 : i32
    %jit3A_24 = arith.constant 3136 : i32
    %select_n3A_25 = arith.select %eq3A_3, %jit3A_23, %jit3A_24 : i32
    %get3A = arith.constant 0 : index
    %get3A_26 = tpu.vector_load %arg9[%get3A] {strides = array<i32>} : memref<3136xi32, #tpu.memory_space<vmem>>, vector<16xi32>,
    %slice3A = vector.extract_strided_slice %get3A_26 {offsets = [0], sizes = [1], strides = [1]} : vector<16xi32> to vector<1xi32>
    %squeeze3A = vector.extract %slice3A[0] : i32 from vector<1xi32>
    %sub3A = arith.constant 16 : i32
    %sub3A_27 = arith.subi %select_n3A_25, %sub3A : i32
    %get3A_28 = arith.index_cast %sub3A_27 : i32 to index
    %get3A_29 = tpu.vector_load %arg9[%get3A_28] {strides = array<i32>} : memref<3136xi32, #tpu.memory_space<vmem>>, vector<16xi32>,
    %slice3A_30 = vector.extract_strided_slice %get3A_29 {offsets = [15], sizes = [1], strides = [1]} : vector<16xi32> to vector<1xi32>
    %squeeze3A_31 = vector.extract %slice3A_30[0] : i32 from vector<1xi32>
    %jit3A_32 = arith.constant 16 : i32
    %div3A = arith.divsi %squeeze3A, %jit3A_32 : i32
    %sign3A = arith.constant 0 : i32
    %sign3A_33 = arith.cmpi sgt, %squeeze3A, %sign3A : i32
    %sign3A_34 = arith.extui %sign3A_33 : i1 to i32
    %sign3A_35 = arith.constant 0 : i32
    %sign3A_36 = arith.cmpi slt, %squeeze3A, %sign3A_35 : i32
    %sign3A_37 = arith.extui %sign3A_36 : i1 to i32
    %sign3A_38 = arith.subi %sign3A_34, %sign3A_37 : i32
    %sign3A_39 = arith.constant 0 : i32
    %sign3A_40 = arith.cmpi sgt, %jit3A_32, %sign3A_39 : i32
    %sign3A_41 = arith.extui %sign3A_40 : i1 to i32
    %sign3A_42 = arith.constant 0 : i32
    %sign3A_43 = arith.cmpi slt, %jit3A_32, %sign3A_42 : i32
    %sign3A_44 = arith.extui %sign3A_43 : i1 to i32
    %sign3A_45 = arith.subi %sign3A_41, %sign3A_44 : i32
    %ne3A = arith.cmpi ne, %sign3A_38, %sign3A_45 : i32
    %rem3A = arith.remsi %squeeze3A, %jit3A_32 : i32
    %ne3A_46 = arith.constant 0 : i32
    %ne3A_47 = arith.cmpi ne, %rem3A, %ne3A_46 : i32
    %and3A = arith.andi %ne3A, %ne3A_47 : i1
    %sub3A_48 = arith.constant 1 : i32
    %sub3A_49 = arith.subi %div3A, %sub3A_48 : i32
    %select_n3A_50 = arith.select %and3A, %sub3A_49, %div3A : i32
    %jit3A_51 = arith.constant 16 : i32
    %div3A_52 = arith.divsi %squeeze3A_31, %jit3A_51 : i32
    %sign3A_53 = arith.constant 0 : i32
    %sign3A_54 = arith.cmpi sgt, %squeeze3A_31, %sign3A_53 : i32
    %sign3A_55 = arith.extui %sign3A_54 : i1 to i32
    %sign3A_56 = arith.constant 0 : i32
    %sign3A_57 = arith.cmpi slt, %squeeze3A_31, %sign3A_56 : i32
    %sign3A_58 = arith.extui %sign3A_57 : i1 to i32
    %sign3A_59 = arith.subi %sign3A_55, %sign3A_58 : i32
    %sign3A_60 = arith.constant 0 : i32
    %sign3A_61 = arith.cmpi sgt, %jit3A_51, %sign3A_60 : i32
    %sign3A_62 = arith.extui %sign3A_61 : i1 to i32
    %sign3A_63 = arith.constant 0 : i32
    %sign3A_64 = arith.cmpi slt, %jit3A_51, %sign3A_63 : i32
    %sign3A_65 = arith.extui %sign3A_64 : i1 to i32
    %sign3A_66 = arith.subi %sign3A_62, %sign3A_65 : i32
    %ne3A_67 = arith.cmpi ne, %sign3A_59, %sign3A_66 : i32
    %rem3A_68 = arith.remsi %squeeze3A_31, %jit3A_51 : i32
    %ne3A_69 = arith.constant 0 : i32
    %ne3A_70 = arith.cmpi ne, %rem3A_68, %ne3A_69 : i32
    %and3A_71 = arith.andi %ne3A_67, %ne3A_70 : i1
    %sub3A_72 = arith.constant 1 : i32
    %sub3A_73 = arith.subi %div3A_52, %sub3A_72 : i32
    %select_n3A_74 = arith.select %and3A_71, %sub3A_73, %div3A_52 : i32
    %add3A_75 = arith.constant 1 : i32
    %add3A_76 = arith.addi %select_n3A_74, %add3A_75 : i32
    %sub3A_77 = arith.subi %add3A_76, %select_n3A_50 : i32
    %while3A = arith.constant 0 : i32
    %while3A_78 = arith.subi %sub3A_77, %while3A : i32
    %while3A_79 = arith.addi %while3A, %while3A_78 : i32
    %while3A_80 = arith.constant 1 : i32
    %while3A_81 = arith.divsi %while3A_78, %while3A_80 : i32
    %while3A_82 = arith.muli %while3A_81, %while3A_80 : i32
    %while3A_83 = arith.addi %while3A, %while3A_82 : i32
    %while3A_84 = arith.constant 1 : i32
    scf.for %while3A_133 = %while3A to %while3A_83 step %while3A_84  : i32 {
      %add3A_134 = arith.addi %select_n3A_50, %while3A_133 : i32
      %mul3A_135 = arith.constant 16 : i32
      %mul3A_136 = arith.muli %add3A_134, %mul3A_135 : i32
      %add3A_137 = arith.constant 0 : i32
      %add3A_138 = arith.addi %add3A_137, %mul3A_136 : i32
      %swap3A = arith.index_cast %add3A_138 : i32 to index
      %swap3A_139 = tpu.vector_load %arg11[%swap3A] {strides = array<i32>} : memref<16400xf32, #tpu.memory_space<vmem>>, vector<16xf32>,
      tpu.vector_store %arg11[%swap3A], %broadcast_in_dim3A_9 {strides = array<i32>} : memref<16400xf32, #tpu.memory_space<vmem>>, vector<16xf32>,
      %add3A_140 = arith.constant 1025 : i32
      %add3A_141 = arith.addi %add3A_140, %mul3A_136 : i32
      %swap3A_142 = arith.index_cast %add3A_141 : i32 to index
      %swap3A_143 = tpu.vector_load %arg11[%swap3A_142] {strides = array<i32>} : memref<16400xf32, #tpu.memory_space<vmem>>, vector<16xf32>,
      tpu.vector_store %arg11[%swap3A_142], %broadcast_in_dim3A_9 {strides = array<i32>} : memref<16400xf32, #tpu.memory_space<vmem>>, vector<16xf32>,
      %add3A_144 = arith.constant 2050 : i32
      %add3A_145 = arith.addi %add3A_144, %mul3A_136 : i32
      %swap3A_146 = arith.index_cast %add3A_145 : i32 to index
      %swap3A_147 = tpu.vector_load %arg11[%swap3A_146] {strides = array<i32>} : memref<16400xf32, #tpu.memory_space<vmem>>, vector<16xf32>,
      tpu.vector_store %arg11[%swap3A_146], %broadcast_in_dim3A_9 {strides = array<i32>} : memref<16400xf32, #tpu.memory_space<vmem>>, vector<16xf32>,
      %add3A_148 = arith.constant 3075 : i32
      %add3A_149 = arith.addi %add3A_148, %mul3A_136 : i32
      %swap3A_150 = arith.index_cast %add3A_149 : i32 to index
      %swap3A_151 = tpu.vector_load %arg11[%swap3A_150] {strides = array<i32>} : memref<16400xf32, #tpu.memory_space<vmem>>, vector<16xf32>,
      tpu.vector_store %arg11[%swap3A_150], %broadcast_in_dim3A_9 {strides = array<i32>} : memref<16400xf32, #tpu.memory_space<vmem>>, vector<16xf32>,
      %add3A_152 = arith.constant 4100 : i32
      %add3A_153 = arith.addi %add3A_152, %mul3A_136 : i32
      %swap3A_154 = arith.index_cast %add3A_153 : i32 to index
      %swap3A_155 = tpu.vector_load %arg11[%swap3A_154] {strides = array<i32>} : memref<16400xf32, #tpu.memory_space<vmem>>, vector<16xf32>,
      tpu.vector_store %arg11[%swap3A_154], %broadcast_in_dim3A_9 {strides = array<i32>} : memref<16400xf32, #tpu.memory_space<vmem>>, vector<16xf32>,
      %add3A_156 = arith.constant 5125 : i32
      %add3A_157 = arith.addi %add3A_156, %mul3A_136 : i32
      %swap3A_158 = arith.index_cast %add3A_157 : i32 to index
      %swap3A_159 = tpu.vector_load %arg11[%swap3A_158] {strides = array<i32>} : memref<16400xf32, #tpu.memory_space<vmem>>, vector<16xf32>,
      tpu.vector_store %arg11[%swap3A_158], %broadcast_in_dim3A_9 {strides = array<i32>} : memref<16400xf32, #tpu.memory_space<vmem>>, vector<16xf32>,
      %add3A_160 = arith.constant 6150 : i32
      %add3A_161 = arith.addi %add3A_160, %mul3A_136 : i32
      %swap3A_162 = arith.index_cast %add3A_161 : i32 to index
      %swap3A_163 = tpu.vector_load %arg11[%swap3A_162] {strides = array<i32>} : memref<16400xf32, #tpu.memory_space<vmem>>, vector<16xf32>,
      tpu.vector_store %arg11[%swap3A_162], %broadcast_in_dim3A_9 {strides = array<i32>} : memref<16400xf32, #tpu.memory_space<vmem>>, vector<16xf32>,
      %add3A_164 = arith.constant 7175 : i32
      %add3A_165 = arith.addi %add3A_164, %mul3A_136 : i32
      %swap3A_166 = arith.index_cast %add3A_165 : i32 to index
      %swap3A_167 = tpu.vector_load %arg11[%swap3A_166] {strides = array<i32>} : memref<16400xf32, #tpu.memory_space<vmem>>, vector<16xf32>,
      tpu.vector_store %arg11[%swap3A_166], %broadcast_in_dim3A_9 {strides = array<i32>} : memref<16400xf32, #tpu.memory_space<vmem>>, vector<16xf32>,
      %add3A_168 = arith.constant 8200 : i32
      %add3A_169 = arith.addi %add3A_168, %mul3A_136 : i32
      %swap3A_170 = arith.index_cast %add3A_169 : i32 to index
      %swap3A_171 = tpu.vector_load %arg11[%swap3A_170] {strides = array<i32>} : memref<16400xf32, #tpu.memory_space<vmem>>, vector<16xf32>,
      tpu.vector_store %arg11[%swap3A_170], %broadcast_in_dim3A_9 {strides = array<i32>} : memref<16400xf32, #tpu.memory_space<vmem>>, vector<16xf32>,
      %add3A_172 = arith.constant 9225 : i32
      %add3A_173 = arith.addi %add3A_172, %mul3A_136 : i32
      %swap3A_174 = arith.index_cast %add3A_173 : i32 to index
      %swap3A_175 = tpu.vector_load %arg11[%swap3A_174] {strides = array<i32>} : memref<16400xf32, #tpu.memory_space<vmem>>, vector<16xf32>,
      tpu.vector_store %arg11[%swap3A_174], %broadcast_in_dim3A_9 {strides = array<i32>} : memref<16400xf32, #tpu.memory_space<vmem>>, vector<16xf32>,
      %add3A_176 = arith.constant 10250 : i32
      %add3A_177 = arith.addi %add3A_176, %mul3A_136 : i32
      %swap3A_178 = arith.index_cast %add3A_177 : i32 to index
      %swap3A_179 = tpu.vector_load %arg11[%swap3A_178] {strides = array<i32>} : memref<16400xf32, #tpu.memory_space<vmem>>, vector<16xf32>,
      tpu.vector_store %arg11[%swap3A_178], %broadcast_in_dim3A_9 {strides = array<i32>} : memref<16400xf32, #tpu.memory_space<vmem>>, vector<16xf32>,
      %add3A_180 = arith.constant 11275 : i32
      %add3A_181 = arith.addi %add3A_180, %mul3A_136 : i32
      %swap3A_182 = arith.index_cast %add3A_181 : i32 to index
      %swap3A_183 = tpu.vector_load %arg11[%swap3A_182] {strides = array<i32>} : memref<16400xf32, #tpu.memory_space<vmem>>, vector<16xf32>,
      tpu.vector_store %arg11[%swap3A_182], %broadcast_in_dim3A_9 {strides = array<i32>} : memref<16400xf32, #tpu.memory_space<vmem>>, vector<16xf32>,
      %add3A_184 = arith.constant 12300 : i32
      %add3A_185 = arith.addi %add3A_184, %mul3A_136 : i32
      %swap3A_186 = arith.index_cast %add3A_185 : i32 to index
      %swap3A_187 = tpu.vector_load %arg11[%swap3A_186] {strides = array<i32>} : memref<16400xf32, #tpu.memory_space<vmem>>, vector<16xf32>,
      tpu.vector_store %arg11[%swap3A_186], %broadcast_in_dim3A_9 {strides = array<i32>} : memref<16400xf32, #tpu.memory_space<vmem>>, vector<16xf32>,
      %add3A_188 = arith.constant 13325 : i32
      %add3A_189 = arith.addi %add3A_188, %mul3A_136 : i32
      %swap3A_190 = arith.index_cast %add3A_189 : i32 to index
      %swap3A_191 = tpu.vector_load %arg11[%swap3A_190] {strides = array<i32>} : memref<16400xf32, #tpu.memory_space<vmem>>, vector<16xf32>,
      tpu.vector_store %arg11[%swap3A_190], %broadcast_in_dim3A_9 {strides = array<i32>} : memref<16400xf32, #tpu.memory_space<vmem>>, vector<16xf32>,
      %add3A_192 = arith.constant 14350 : i32
      %add3A_193 = arith.addi %add3A_192, %mul3A_136 : i32
      %swap3A_194 = arith.index_cast %add3A_193 : i32 to index
      %swap3A_195 = tpu.vector_load %arg11[%swap3A_194] {strides = array<i32>} : memref<16400xf32, #tpu.memory_space<vmem>>, vector<16xf32>,
      tpu.vector_store %arg11[%swap3A_194], %broadcast_in_dim3A_9 {strides = array<i32>} : memref<16400xf32, #tpu.memory_space<vmem>>, vector<16xf32>,
      %add3A_196 = arith.constant 15375 : i32
      %add3A_197 = arith.addi %add3A_196, %mul3A_136 : i32
      %swap3A_198 = arith.index_cast %add3A_197 : i32 to index
      %swap3A_199 = tpu.vector_load %arg11[%swap3A_198] {strides = array<i32>} : memref<16400xf32, #tpu.memory_space<vmem>>, vector<16xf32>,
      tpu.vector_store %arg11[%swap3A_198], %broadcast_in_dim3A_9 {strides = array<i32>} : memref<16400xf32, #tpu.memory_space<vmem>>, vector<16xf32>,
    }
    %while3A_85 = arith.constant 1 : i32
    scf.for %while3A_133 = %while3A_83 to %while3A_79 step %while3A_85  : i32 {
      %add3A_134 = arith.addi %select_n3A_50, %while3A_133 : i32
      %mul3A_135 = arith.constant 16 : i32
      %mul3A_136 = arith.muli %add3A_134, %mul3A_135 : i32
      %add3A_137 = arith.constant 0 : i32
      %add3A_138 = arith.addi %add3A_137, %mul3A_136 : i32
      %swap3A = arith.index_cast %add3A_138 : i32 to index
      %swap3A_139 = tpu.vector_load %arg11[%swap3A] {strides = array<i32>} : memref<16400xf32, #tpu.memory_space<vmem>>, vector<16xf32>,
      tpu.vector_store %arg11[%swap3A], %broadcast_in_dim3A_9 {strides = array<i32>} : memref<16400xf32, #tpu.memory_space<vmem>>, vector<16xf32>,
      %add3A_140 = arith.constant 1025 : i32
      %add3A_141 = arith.addi %add3A_140, %mul3A_136 : i32
      %swap3A_142 = arith.index_cast %add3A_141 : i32 to index
      %swap3A_143 = tpu.vector_load %arg11[%swap3A_142] {strides = array<i32>} : memref<16400xf32, #tpu.memory_space<vmem>>, vector<16xf32>,
      tpu.vector_store %arg11[%swap3A_142], %broadcast_in_dim3A_9 {strides = array<i32>} : memref<16400xf32, #tpu.memory_space<vmem>>, vector<16xf32>,
      %add3A_144 = arith.constant 2050 : i32
      %add3A_145 = arith.addi %add3A_144, %mul3A_136 : i32
      %swap3A_146 = arith.index_cast %add3A_145 : i32 to index
      %swap3A_147 = tpu.vector_load %arg11[%swap3A_146] {strides = array<i32>} : memref<16400xf32, #tpu.memory_space<vmem>>, vector<16xf32>,
      tpu.vector_store %arg11[%swap3A_146], %broadcast_in_dim3A_9 {strides = array<i32>} : memref<16400xf32, #tpu.memory_space<vmem>>, vector<16xf32>,
      %add3A_148 = arith.constant 3075 : i32
      %add3A_149 = arith.addi %add3A_148, %mul3A_136 : i32
      %swap3A_150 = arith.index_cast %add3A_149 : i32 to index
      %swap3A_151 = tpu.vector_load %arg11[%swap3A_150] {strides = array<i32>} : memref<16400xf32, #tpu.memory_space<vmem>>, vector<16xf32>,
      tpu.vector_store %arg11[%swap3A_150], %broadcast_in_dim3A_9 {strides = array<i32>} : memref<16400xf32, #tpu.memory_space<vmem>>, vector<16xf32>,
      %add3A_152 = arith.constant 4100 : i32
      %add3A_153 = arith.addi %add3A_152, %mul3A_136 : i32
      %swap3A_154 = arith.index_cast %add3A_153 : i32 to index
      %swap3A_155 = tpu.vector_load %arg11[%swap3A_154] {strides = array<i32>} : memref<16400xf32, #tpu.memory_space<vmem>>, vector<16xf32>,
      tpu.vector_store %arg11[%swap3A_154], %broadcast_in_dim3A_9 {strides = array<i32>} : memref<16400xf32, #tpu.memory_space<vmem>>, vector<16xf32>,
      %add3A_156 = arith.constant 5125 : i32
      %add3A_157 = arith.addi %add3A_156, %mul3A_136 : i32
      %swap3A_158 = arith.index_cast %add3A_157 : i32 to index
      %swap3A_159 = tpu.vector_load %arg11[%swap3A_158] {strides = array<i32>} : memref<16400xf32, #tpu.memory_space<vmem>>, vector<16xf32>,
      tpu.vector_store %arg11[%swap3A_158], %broadcast_in_dim3A_9 {strides = array<i32>} : memref<16400xf32, #tpu.memory_space<vmem>>, vector<16xf32>,
      %add3A_160 = arith.constant 6150 : i32
      %add3A_161 = arith.addi %add3A_160, %mul3A_136 : i32
      %swap3A_162 = arith.index_cast %add3A_161 : i32 to index
      %swap3A_163 = tpu.vector_load %arg11[%swap3A_162] {strides = array<i32>} : memref<16400xf32, #tpu.memory_space<vmem>>, vector<16xf32>,
      tpu.vector_store %arg11[%swap3A_162], %broadcast_in_dim3A_9 {strides = array<i32>} : memref<16400xf32, #tpu.memory_space<vmem>>, vector<16xf32>,
      %add3A_164 = arith.constant 7175 : i32
      %add3A_165 = arith.addi %add3A_164, %mul3A_136 : i32
      %swap3A_166 = arith.index_cast %add3A_165 : i32 to index
      %swap3A_167 = tpu.vector_load %arg11[%swap3A_166] {strides = array<i32>} : memref<16400xf32, #tpu.memory_space<vmem>>, vector<16xf32>,
      tpu.vector_store %arg11[%swap3A_166], %broadcast_in_dim3A_9 {strides = array<i32>} : memref<16400xf32, #tpu.memory_space<vmem>>, vector<16xf32>,
      %add3A_168 = arith.constant 8200 : i32
      %add3A_169 = arith.addi %add3A_168, %mul3A_136 : i32
      %swap3A_170 = arith.index_cast %add3A_169 : i32 to index
      %swap3A_171 = tpu.vector_load %arg11[%swap3A_170] {strides = array<i32>} : memref<16400xf32, #tpu.memory_space<vmem>>, vector<16xf32>,
      tpu.vector_store %arg11[%swap3A_170], %broadcast_in_dim3A_9 {strides = array<i32>} : memref<16400xf32, #tpu.memory_space<vmem>>, vector<16xf32>,
      %add3A_172 = arith.constant 9225 : i32
      %add3A_173 = arith.addi %add3A_172, %mul3A_136 : i32
      %swap3A_174 = arith.index_cast %add3A_173 : i32 to index
      %swap3A_175 = tpu.vector_load %arg11[%swap3A_174] {strides = array<i32>} : memref<16400xf32, #tpu.memory_space<vmem>>, vector<16xf32>,
      tpu.vector_store %arg11[%swap3A_174], %broadcast_in_dim3A_9 {strides = array<i32>} : memref<16400xf32, #tpu.memory_space<vmem>>, vector<16xf32>,
      %add3A_176 = arith.constant 10250 : i32
      %add3A_177 = arith.addi %add3A_176, %mul3A_136 : i32
      %swap3A_178 = arith.index_cast %add3A_177 : i32 to index
      %swap3A_179 = tpu.vector_load %arg11[%swap3A_178] {strides = array<i32>} : memref<16400xf32, #tpu.memory_space<vmem>>, vector<16xf32>,
      tpu.vector_store %arg11[%swap3A_178], %broadcast_in_dim3A_9 {strides = array<i32>} : memref<16400xf32, #tpu.memory_space<vmem>>, vector<16xf32>,
      %add3A_180 = arith.constant 11275 : i32
      %add3A_181 = arith.addi %add3A_180, %mul3A_136 : i32
      %swap3A_182 = arith.index_cast %add3A_181 : i32 to index
      %swap3A_183 = tpu.vector_load %arg11[%swap3A_182] {strides = array<i32>} : memref<16400xf32, #tpu.memory_space<vmem>>, vector<16xf32>,
      tpu.vector_store %arg11[%swap3A_182], %broadcast_in_dim3A_9 {strides = array<i32>} : memref<16400xf32, #tpu.memory_space<vmem>>, vector<16xf32>,
      %add3A_184 = arith.constant 12300 : i32
      %add3A_185 = arith.addi %add3A_184, %mul3A_136 : i32
      %swap3A_186 = arith.index_cast %add3A_185 : i32 to index
      %swap3A_187 = tpu.vector_load %arg11[%swap3A_186] {strides = array<i32>} : memref<16400xf32, #tpu.memory_space<vmem>>, vector<16xf32>,
      tpu.vector_store %arg11[%swap3A_186], %broadcast_in_dim3A_9 {strides = array<i32>} : memref<16400xf32, #tpu.memory_space<vmem>>, vector<16xf32>,
      %add3A_188 = arith.constant 13325 : i32
      %add3A_189 = arith.addi %add3A_188, %mul3A_136 : i32
      %swap3A_190 = arith.index_cast %add3A_189 : i32 to index
      %swap3A_191 = tpu.vector_load %arg11[%swap3A_190] {strides = array<i32>} : memref<16400xf32, #tpu.memory_space<vmem>>, vector<16xf32>,
      tpu.vector_store %arg11[%swap3A_190], %broadcast_in_dim3A_9 {strides = array<i32>} : memref<16400xf32, #tpu.memory_space<vmem>>, vector<16xf32>,
      %add3A_192 = arith.constant 14350 : i32
      %add3A_193 = arith.addi %add3A_192, %mul3A_136 : i32
      %swap3A_194 = arith.index_cast %add3A_193 : i32 to index
      %swap3A_195 = tpu.vector_load %arg11[%swap3A_194] {strides = array<i32>} : memref<16400xf32, #tpu.memory_space<vmem>>, vector<16xf32>,
      tpu.vector_store %arg11[%swap3A_194], %broadcast_in_dim3A_9 {strides = array<i32>} : memref<16400xf32, #tpu.memory_space<vmem>>, vector<16xf32>,
      %add3A_196 = arith.constant 15375 : i32
      %add3A_197 = arith.addi %add3A_196, %mul3A_136 : i32
      %swap3A_198 = arith.index_cast %add3A_197 : i32 to index
      %swap3A_199 = tpu.vector_load %arg11[%swap3A_198] {strides = array<i32>} : memref<16400xf32, #tpu.memory_space<vmem>>, vector<16xf32>,
      tpu.vector_store %arg11[%swap3A_198], %broadcast_in_dim3A_9 {strides = array<i32>} : memref<16400xf32, #tpu.memory_space<vmem>>, vector<16xf32>,
    }
    %not3A_86 = arith.constant true
    %not3A_87 = arith.xori %eq3A_3, %not3A_86 : i1
    %convert_element_type3A_88 = arith.extui %not3A_87 : i1 to i32
    %cond3A_89 = arith.constant 0 : i32
    %cond3A_90 = arith.cmpi ne, %convert_element_type3A_88, %cond3A_89 : i32
    scf.if %cond3A_90 {
      %dma_wait3A = tpu.memref_slice %arg2[%mul3A_2] : memref<100000xf32, #tpu.memory_space<hbm>> -> memref<3136xf32, #tpu.memory_space<hbm>>
      %dma_wait3A_133 = tpu.memref_slice %arg2[%mul3A_2] : memref<100000xf32, #tpu.memory_space<hbm>> -> memref<3136xf32, #tpu.memory_space<hbm>>
      tpu.wait_dma2 semaphore(%arg14 : memref<!tpu.dma_semaphore, #tpu.memory_space<semaphore_mem>>) src(%dma_wait3A_133 : memref<3136xf32, #tpu.memory_space<hbm>>) dst(%arg7 : memref<3136xf32, #tpu.memory_space<vmem>>)
      %dma_wait3A_134 = tpu.memref_slice %arg5[%mul3A_2] : memref<100000xf32, #tpu.memory_space<hbm>> -> memref<3136xf32, #tpu.memory_space<hbm>>
      %dma_wait3A_135 = tpu.memref_slice %arg5[%mul3A_2] : memref<100000xf32, #tpu.memory_space<hbm>> -> memref<3136xf32, #tpu.memory_space<hbm>>
      tpu.wait_dma2 semaphore(%arg15 : memref<!tpu.dma_semaphore, #tpu.memory_space<semaphore_mem>>) src(%dma_wait3A_135 : memref<3136xf32, #tpu.memory_space<hbm>>) dst(%arg8 : memref<3136xf32, #tpu.memory_space<vmem>>)
    } else {
    }
    tpu.wait_dma2 semaphore(%arg16 : memref<!tpu.dma_semaphore, #tpu.memory_space<semaphore_mem>>) src(%arg4 : memref<1024xi32, #tpu.memory_space<hbm>>) dst(%arg10 : memref<1024xi32, #tpu.memory_space<vmem>>)
    %iota3A = tpu.iota {dimensions = array<i32: 0>} : vector<16xi32>
    %jit3A_91 = arith.constant 7 : i32
    %div3A_92 = arith.divsi %select_n3A, %jit3A_91 : i32
    %sign3A_93 = arith.constant 0 : i32
    %sign3A_94 = arith.cmpi sgt, %select_n3A, %sign3A_93 : i32
    %sign3A_95 = arith.extui %sign3A_94 : i1 to i32
    %sign3A_96 = arith.constant 0 : i32
    %sign3A_97 = arith.cmpi slt, %select_n3A, %sign3A_96 : i32
    %sign3A_98 = arith.extui %sign3A_97 : i1 to i32
    %sign3A_99 = arith.subi %sign3A_95, %sign3A_98 : i32
    %sign3A_100 = arith.constant 0 : i32
    %sign3A_101 = arith.cmpi sgt, %jit3A_91, %sign3A_100 : i32
    %sign3A_102 = arith.extui %sign3A_101 : i1 to i32
    %sign3A_103 = arith.constant 0 : i32
    %sign3A_104 = arith.cmpi slt, %jit3A_91, %sign3A_103 : i32
    %sign3A_105 = arith.extui %sign3A_104 : i1 to i32
    %sign3A_106 = arith.subi %sign3A_102, %sign3A_105 : i32
    %ne3A_107 = arith.cmpi ne, %sign3A_99, %sign3A_106 : i32
    %rem3A_108 = arith.remsi %select_n3A, %jit3A_91 : i32
    %ne3A_109 = arith.constant 0 : i32
    %ne3A_110 = arith.cmpi ne, %rem3A_108, %ne3A_109 : i32
    %and3A_111 = arith.andi %ne3A_107, %ne3A_110 : i1
    %sub3A_112 = arith.constant 1 : i32
    %sub3A_113 = arith.subi %div3A_92, %sub3A_112 : i32
    %select_n3A_114 = arith.select %and3A_111, %sub3A_113, %div3A_92 : i32
    %while3A_115 = arith.constant 0 : i32
    %while3A_116 = arith.subi %select_n3A_114, %while3A_115 : i32
    %while3A_117 = arith.addi %while3A_115, %while3A_116 : i32
    %while3A_118 = arith.constant 1 : i32
    %while3A_119 = arith.divsi %while3A_116, %while3A_118 : i32
    %while3A_120 = arith.muli %while3A_119, %while3A_118 : i32
    %while3A_121 = arith.addi %while3A_115, %while3A_120 : i32
    %while3A_122 = arith.constant 1 : i32
    scf.for %while3A_133 = %while3A_115 to %while3A_121 step %while3A_122  : i32 {
      %mul3A_134 = arith.constant 0 : i32
      %mul3A_135 = arith.muli %mul3A_134, %select_n3A_114 : i32
      %add3A_136 = arith.addi %mul3A_135, %while3A_133 : i32
      %mul3A_137 = arith.constant 16 : i32
      %mul3A_138 = arith.muli %add3A_136, %mul3A_137 : i32
      %mul3A_139 = arith.constant 1 : i32
      %mul3A_140 = arith.muli %mul3A_139, %select_n3A_114 : i32
      %add3A_141 = arith.addi %mul3A_140, %while3A_133 : i32
      %mul3A_142 = arith.constant 16 : i32
      %mul3A_143 = arith.muli %add3A_141, %mul3A_142 : i32
      %mul3A_144 = arith.constant 2 : i32
      %mul3A_145 = arith.muli %mul3A_144, %select_n3A_114 : i32
      %add3A_146 = arith.addi %mul3A_145, %while3A_133 : i32
      %mul3A_147 = arith.constant 16 : i32
      %mul3A_148 = arith.muli %add3A_146, %mul3A_147 : i32
      %mul3A_149 = arith.constant 3 : i32
      %mul3A_150 = arith.muli %mul3A_149, %select_n3A_114 : i32
      %add3A_151 = arith.addi %mul3A_150, %while3A_133 : i32
      %mul3A_152 = arith.constant 16 : i32
      %mul3A_153 = arith.muli %add3A_151, %mul3A_152 : i32
      %mul3A_154 = arith.constant 4 : i32
      %mul3A_155 = arith.muli %mul3A_154, %select_n3A_114 : i32
      %add3A_156 = arith.addi %mul3A_155, %while3A_133 : i32
      %mul3A_157 = arith.constant 16 : i32
      %mul3A_158 = arith.muli %add3A_156, %mul3A_157 : i32
      %mul3A_159 = arith.constant 5 : i32
      %mul3A_160 = arith.muli %mul3A_159, %select_n3A_114 : i32
      %add3A_161 = arith.addi %mul3A_160, %while3A_133 : i32
      %mul3A_162 = arith.constant 16 : i32
      %mul3A_163 = arith.muli %add3A_161, %mul3A_162 : i32
      %mul3A_164 = arith.constant 6 : i32
      %mul3A_165 = arith.muli %mul3A_164, %select_n3A_114 : i32
      %add3A_166 = arith.addi %mul3A_165, %while3A_133 : i32
      %mul3A_167 = arith.constant 16 : i32
      %mul3A_168 = arith.muli %add3A_166, %mul3A_167 : i32
      %get3A_169 = arith.index_cast %mul3A_138 : i32 to index
      %get3A_170 = tpu.vector_load %arg9[%get3A_169] {strides = array<i32>} : memref<3136xi32, #tpu.memory_space<vmem>>, vector<16xi32>,
      %get3A_171 = arith.index_cast %mul3A_143 : i32 to index
      %get3A_172 = tpu.vector_load %arg9[%get3A_171] {strides = array<i32>} : memref<3136xi32, #tpu.memory_space<vmem>>, vector<16xi32>,
      %get3A_173 = arith.index_cast %mul3A_148 : i32 to index
      %get3A_174 = tpu.vector_load %arg9[%get3A_173] {strides = array<i32>} : memref<3136xi32, #tpu.memory_space<vmem>>, vector<16xi32>,
      %get3A_175 = arith.index_cast %mul3A_153 : i32 to index
      %get3A_176 = tpu.vector_load %arg9[%get3A_175] {strides = array<i32>} : memref<3136xi32, #tpu.memory_space<vmem>>, vector<16xi32>,
      %get3A_177 = arith.index_cast %mul3A_158 : i32 to index
      %get3A_178 = tpu.vector_load %arg9[%get3A_177] {strides = array<i32>} : memref<3136xi32, #tpu.memory_space<vmem>>, vector<16xi32>,
      %get3A_179 = arith.index_cast %mul3A_163 : i32 to index
      %get3A_180 = tpu.vector_load %arg9[%get3A_179] {strides = array<i32>} : memref<3136xi32, #tpu.memory_space<vmem>>, vector<16xi32>,
      %get3A_181 = arith.index_cast %mul3A_168 : i32 to index
      %get3A_182 = tpu.vector_load %arg9[%get3A_181] {strides = array<i32>} : memref<3136xi32, #tpu.memory_space<vmem>>, vector<16xi32>,
      %gather3A = tpu.vector_load_idx %arg10[%get3A_170] : memref<1024xi32, #tpu.memory_space<vmem>>[vector<16xi32>], vector<16xi32>,
      %gather3A_183 = tpu.vector_load_idx %arg10[%get3A_172] : memref<1024xi32, #tpu.memory_space<vmem>>[vector<16xi32>], vector<16xi32>,
      %gather3A_184 = tpu.vector_load_idx %arg10[%get3A_174] : memref<1024xi32, #tpu.memory_space<vmem>>[vector<16xi32>], vector<16xi32>,
      %gather3A_185 = tpu.vector_load_idx %arg10[%get3A_176] : memref<1024xi32, #tpu.memory_space<vmem>>[vector<16xi32>], vector<16xi32>,
      %gather3A_186 = tpu.vector_load_idx %arg10[%get3A_178] : memref<1024xi32, #tpu.memory_space<vmem>>[vector<16xi32>], vector<16xi32>,
      %gather3A_187 = tpu.vector_load_idx %arg10[%get3A_180] : memref<1024xi32, #tpu.memory_space<vmem>>[vector<16xi32>], vector<16xi32>,
      %gather3A_188 = tpu.vector_load_idx %arg10[%get3A_182] : memref<1024xi32, #tpu.memory_space<vmem>>[vector<16xi32>], vector<16xi32>,
      %get3A_189 = arith.index_cast %mul3A_138 : i32 to index
      %get3A_190 = tpu.vector_load %arg7[%get3A_189] {strides = array<i32>} : memref<3136xf32, #tpu.memory_space<vmem>>, vector<16xf32>,
      %get3A_191 = arith.index_cast %mul3A_143 : i32 to index
      %get3A_192 = tpu.vector_load %arg7[%get3A_191] {strides = array<i32>} : memref<3136xf32, #tpu.memory_space<vmem>>, vector<16xf32>,
      %get3A_193 = arith.index_cast %mul3A_148 : i32 to index
      %get3A_194 = tpu.vector_load %arg7[%get3A_193] {strides = array<i32>} : memref<3136xf32, #tpu.memory_space<vmem>>, vector<16xf32>,
      %get3A_195 = arith.index_cast %mul3A_153 : i32 to index
      %get3A_196 = tpu.vector_load %arg7[%get3A_195] {strides = array<i32>} : memref<3136xf32, #tpu.memory_space<vmem>>, vector<16xf32>,
      %get3A_197 = arith.index_cast %mul3A_158 : i32 to index
      %get3A_198 = tpu.vector_load %arg7[%get3A_197] {strides = array<i32>} : memref<3136xf32, #tpu.memory_space<vmem>>, vector<16xf32>,
      %get3A_199 = arith.index_cast %mul3A_163 : i32 to index
      %get3A_200 = tpu.vector_load %arg7[%get3A_199] {strides = array<i32>} : memref<3136xf32, #tpu.memory_space<vmem>>, vector<16xf32>,
      %get3A_201 = arith.index_cast %mul3A_168 : i32 to index
      %get3A_202 = tpu.vector_load %arg7[%get3A_201] {strides = array<i32>} : memref<3136xf32, #tpu.memory_space<vmem>>, vector<16xf32>,
      %get3A_203 = arith.index_cast %mul3A_138 : i32 to index
      %get3A_204 = tpu.vector_load %arg8[%get3A_203] {strides = array<i32>} : memref<3136xf32, #tpu.memory_space<vmem>>, vector<16xf32>,
      %get3A_205 = arith.index_cast %mul3A_143 : i32 to index
      %get3A_206 = tpu.vector_load %arg8[%get3A_205] {strides = array<i32>} : memref<3136xf32, #tpu.memory_space<vmem>>, vector<16xf32>,
      %get3A_207 = arith.index_cast %mul3A_148 : i32 to index
      %get3A_208 = tpu.vector_load %arg8[%get3A_207] {strides = array<i32>} : memref<3136xf32, #tpu.memory_space<vmem>>, vector<16xf32>,
      %get3A_209 = arith.index_cast %mul3A_153 : i32 to index
      %get3A_210 = tpu.vector_load %arg8[%get3A_209] {strides = array<i32>} : memref<3136xf32, #tpu.memory_space<vmem>>, vector<16xf32>,
      %get3A_211 = arith.index_cast %mul3A_158 : i32 to index
      %get3A_212 = tpu.vector_load %arg8[%get3A_211] {strides = array<i32>} : memref<3136xf32, #tpu.memory_space<vmem>>, vector<16xf32>,
      %get3A_213 = arith.index_cast %mul3A_163 : i32 to index
      %get3A_214 = tpu.vector_load %arg8[%get3A_213] {strides = array<i32>} : memref<3136xf32, #tpu.memory_space<vmem>>, vector<16xf32>,
      %get3A_215 = arith.index_cast %mul3A_168 : i32 to index
      %get3A_216 = tpu.vector_load %arg8[%get3A_215] {strides = array<i32>} : memref<3136xf32, #tpu.memory_space<vmem>>, vector<16xf32>,
      %ne3A_217 = arith.constant 0.000000e+00 : f32
      %ne3A_218 = vector.broadcast %ne3A_217 : f32 to vector<16xf32>
      %ne3A_219 = arith.cmpf one, %get3A_190, %ne3A_218 : vector<16xf32>
      %jit3A_220 = arith.constant 1.000000e+00 : f32
      %jit3A_221 = arith.constant 0.000000e+00 : f32
      %broadcast_in_dim3A_222 = vector.broadcast %jit3A_220 : f32 to vector<16xf32>
      %broadcast_in_dim3A_223 = vector.broadcast %jit3A_221 : f32 to vector<16xf32>
      %select_n3A_224 = arith.select %ne3A_219, %broadcast_in_dim3A_222, %broadcast_in_dim3A_223 : vector<16xi1>, vector<16xf32>
      %eq3A_225 = arith.constant 0 : i32
      %eq3A_226 = vector.broadcast %eq3A_225 : i32 to vector<16xi32>
      %eq3A_227 = arith.cmpi eq, %gather3A, %eq3A_226 : vector<16xi32>
      %eq3A_228 = arith.constant 1 : i32
      %eq3A_229 = vector.broadcast %eq3A_228 : i32 to vector<16xi32>
      %eq3A_230 = arith.cmpi eq, %gather3A, %eq3A_229 : vector<16xi32>
      %mul3A_231 = arith.mulf %get3A_190, %get3A_204 : vector<16xf32>
      %select_n3A_232 = arith.select %eq3A_230, %get3A_190, %mul3A_231 : vector<16xi1>, vector<16xf32>
      %select_n3A_233 = arith.select %eq3A_227, %select_n3A_224, %select_n3A_232 : vector<16xi1>, vector<16xf32>
      %ne3A_234 = arith.constant 0.000000e+00 : f32
      %ne3A_235 = vector.broadcast %ne3A_234 : f32 to vector<16xf32>
      %ne3A_236 = arith.cmpf one, %get3A_192, %ne3A_235 : vector<16xf32>
      %jit3A_237 = arith.constant 1.000000e+00 : f32
      %jit3A_238 = arith.constant 0.000000e+00 : f32
      %broadcast_in_dim3A_239 = vector.broadcast %jit3A_237 : f32 to vector<16xf32>
      %broadcast_in_dim3A_240 = vector.broadcast %jit3A_238 : f32 to vector<16xf32>
      %select_n3A_241 = arith.select %ne3A_236, %broadcast_in_dim3A_239, %broadcast_in_dim3A_240 : vector<16xi1>, vector<16xf32>
      %eq3A_242 = arith.constant 0 : i32
      %eq3A_243 = vector.broadcast %eq3A_242 : i32 to vector<16xi32>
      %eq3A_244 = arith.cmpi eq, %gather3A_183, %eq3A_243 : vector<16xi32>
      %eq3A_245 = arith.constant 1 : i32
      %eq3A_246 = vector.broadcast %eq3A_245 : i32 to vector<16xi32>
      %eq3A_247 = arith.cmpi eq, %gather3A_183, %eq3A_246 : vector<16xi32>
      %mul3A_248 = arith.mulf %get3A_192, %get3A_206 : vector<16xf32>
      %select_n3A_249 = arith.select %eq3A_247, %get3A_192, %mul3A_248 : vector<16xi1>, vector<16xf32>
      %select_n3A_250 = arith.select %eq3A_244, %select_n3A_241, %select_n3A_249 : vector<16xi1>, vector<16xf32>
      %ne3A_251 = arith.constant 0.000000e+00 : f32
      %ne3A_252 = vector.broadcast %ne3A_251 : f32 to vector<16xf32>
      %ne3A_253 = arith.cmpf one, %get3A_194, %ne3A_252 : vector<16xf32>
      %jit3A_254 = arith.constant 1.000000e+00 : f32
      %jit3A_255 = arith.constant 0.000000e+00 : f32
      %broadcast_in_dim3A_256 = vector.broadcast %jit3A_254 : f32 to vector<16xf32>
      %broadcast_in_dim3A_257 = vector.broadcast %jit3A_255 : f32 to vector<16xf32>
      %select_n3A_258 = arith.select %ne3A_253, %broadcast_in_dim3A_256, %broadcast_in_dim3A_257 : vector<16xi1>, vector<16xf32>
      %eq3A_259 = arith.constant 0 : i32
      %eq3A_260 = vector.broadcast %eq3A_259 : i32 to vector<16xi32>
      %eq3A_261 = arith.cmpi eq, %gather3A_184, %eq3A_260 : vector<16xi32>
      %eq3A_262 = arith.constant 1 : i32
      %eq3A_263 = vector.broadcast %eq3A_262 : i32 to vector<16xi32>
      %eq3A_264 = arith.cmpi eq, %gather3A_184, %eq3A_263 : vector<16xi32>
      %mul3A_265 = arith.mulf %get3A_194, %get3A_208 : vector<16xf32>
      %select_n3A_266 = arith.select %eq3A_264, %get3A_194, %mul3A_265 : vector<16xi1>, vector<16xf32>
      %select_n3A_267 = arith.select %eq3A_261, %select_n3A_258, %select_n3A_266 : vector<16xi1>, vector<16xf32>
      %ne3A_268 = arith.constant 0.000000e+00 : f32
      %ne3A_269 = vector.broadcast %ne3A_268 : f32 to vector<16xf32>
      %ne3A_270 = arith.cmpf one, %get3A_196, %ne3A_269 : vector<16xf32>
      %jit3A_271 = arith.constant 1.000000e+00 : f32
      %jit3A_272 = arith.constant 0.000000e+00 : f32
      %broadcast_in_dim3A_273 = vector.broadcast %jit3A_271 : f32 to vector<16xf32>
      %broadcast_in_dim3A_274 = vector.broadcast %jit3A_272 : f32 to vector<16xf32>
      %select_n3A_275 = arith.select %ne3A_270, %broadcast_in_dim3A_273, %broadcast_in_dim3A_274 : vector<16xi1>, vector<16xf32>
      %eq3A_276 = arith.constant 0 : i32
      %eq3A_277 = vector.broadcast %eq3A_276 : i32 to vector<16xi32>
      %eq3A_278 = arith.cmpi eq, %gather3A_185, %eq3A_277 : vector<16xi32>
      %eq3A_279 = arith.constant 1 : i32
      %eq3A_280 = vector.broadcast %eq3A_279 : i32 to vector<16xi32>
      %eq3A_281 = arith.cmpi eq, %gather3A_185, %eq3A_280 : vector<16xi32>
      %mul3A_282 = arith.mulf %get3A_196, %get3A_210 : vector<16xf32>
      %select_n3A_283 = arith.select %eq3A_281, %get3A_196, %mul3A_282 : vector<16xi1>, vector<16xf32>
      %select_n3A_284 = arith.select %eq3A_278, %select_n3A_275, %select_n3A_283 : vector<16xi1>, vector<16xf32>
      %ne3A_285 = arith.constant 0.000000e+00 : f32
      %ne3A_286 = vector.broadcast %ne3A_285 : f32 to vector<16xf32>
      %ne3A_287 = arith.cmpf one, %get3A_198, %ne3A_286 : vector<16xf32>
      %jit3A_288 = arith.constant 1.000000e+00 : f32
      %jit3A_289 = arith.constant 0.000000e+00 : f32
      %broadcast_in_dim3A_290 = vector.broadcast %jit3A_288 : f32 to vector<16xf32>
      %broadcast_in_dim3A_291 = vector.broadcast %jit3A_289 : f32 to vector<16xf32>
      %select_n3A_292 = arith.select %ne3A_287, %broadcast_in_dim3A_290, %broadcast_in_dim3A_291 : vector<16xi1>, vector<16xf32>
      %eq3A_293 = arith.constant 0 : i32
      %eq3A_294 = vector.broadcast %eq3A_293 : i32 to vector<16xi32>
      %eq3A_295 = arith.cmpi eq, %gather3A_186, %eq3A_294 : vector<16xi32>
      %eq3A_296 = arith.constant 1 : i32
      %eq3A_297 = vector.broadcast %eq3A_296 : i32 to vector<16xi32>
      %eq3A_298 = arith.cmpi eq, %gather3A_186, %eq3A_297 : vector<16xi32>
      %mul3A_299 = arith.mulf %get3A_198, %get3A_212 : vector<16xf32>
      %select_n3A_300 = arith.select %eq3A_298, %get3A_198, %mul3A_299 : vector<16xi1>, vector<16xf32>
      %select_n3A_301 = arith.select %eq3A_295, %select_n3A_292, %select_n3A_300 : vector<16xi1>, vector<16xf32>
      %ne3A_302 = arith.constant 0.000000e+00 : f32
      %ne3A_303 = vector.broadcast %ne3A_302 : f32 to vector<16xf32>
      %ne3A_304 = arith.cmpf one, %get3A_200, %ne3A_303 : vector<16xf32>
      %jit3A_305 = arith.constant 1.000000e+00 : f32
      %jit3A_306 = arith.constant 0.000000e+00 : f32
      %broadcast_in_dim3A_307 = vector.broadcast %jit3A_305 : f32 to vector<16xf32>
      %broadcast_in_dim3A_308 = vector.broadcast %jit3A_306 : f32 to vector<16xf32>
      %select_n3A_309 = arith.select %ne3A_304, %broadcast_in_dim3A_307, %broadcast_in_dim3A_308 : vector<16xi1>, vector<16xf32>
      %eq3A_310 = arith.constant 0 : i32
      %eq3A_311 = vector.broadcast %eq3A_310 : i32 to vector<16xi32>
      %eq3A_312 = arith.cmpi eq, %gather3A_187, %eq3A_311 : vector<16xi32>
      %eq3A_313 = arith.constant 1 : i32
      %eq3A_314 = vector.broadcast %eq3A_313 : i32 to vector<16xi32>
      %eq3A_315 = arith.cmpi eq, %gather3A_187, %eq3A_314 : vector<16xi32>
      %mul3A_316 = arith.mulf %get3A_200, %get3A_214 : vector<16xf32>
      %select_n3A_317 = arith.select %eq3A_315, %get3A_200, %mul3A_316 : vector<16xi1>, vector<16xf32>
      %select_n3A_318 = arith.select %eq3A_312, %select_n3A_309, %select_n3A_317 : vector<16xi1>, vector<16xf32>
      %ne3A_319 = arith.constant 0.000000e+00 : f32
      %ne3A_320 = vector.broadcast %ne3A_319 : f32 to vector<16xf32>
      %ne3A_321 = arith.cmpf one, %get3A_202, %ne3A_320 : vector<16xf32>
      %jit3A_322 = arith.constant 1.000000e+00 : f32
      %jit3A_323 = arith.constant 0.000000e+00 : f32
      %broadcast_in_dim3A_324 = vector.broadcast %jit3A_322 : f32 to vector<16xf32>
      %broadcast_in_dim3A_325 = vector.broadcast %jit3A_323 : f32 to vector<16xf32>
      %select_n3A_326 = arith.select %ne3A_321, %broadcast_in_dim3A_324, %broadcast_in_dim3A_325 : vector<16xi1>, vector<16xf32>
      %eq3A_327 = arith.constant 0 : i32
      %eq3A_328 = vector.broadcast %eq3A_327 : i32 to vector<16xi32>
      %eq3A_329 = arith.cmpi eq, %gather3A_188, %eq3A_328 : vector<16xi32>
      %eq3A_330 = arith.constant 1 : i32
      %eq3A_331 = vector.broadcast %eq3A_330 : i32 to vector<16xi32>
      %eq3A_332 = arith.cmpi eq, %gather3A_188, %eq3A_331 : vector<16xi32>
      %mul3A_333 = arith.mulf %get3A_202, %get3A_216 : vector<16xf32>
      %select_n3A_334 = arith.select %eq3A_332, %get3A_202, %mul3A_333 : vector<16xi1>, vector<16xf32>
      %select_n3A_335 = arith.select %eq3A_329, %select_n3A_326, %select_n3A_334 : vector<16xi1>, vector<16xf32>
      %mul3A_336 = arith.constant 1025 : i32
      %mul3A_337 = vector.broadcast %mul3A_336 : i32 to vector<16xi32>
      %mul3A_338 = arith.muli %iota3A, %mul3A_337 : vector<16xi32>
      %add3A_339 = arith.addi %mul3A_338, %get3A_170 : vector<16xi32>
      tpu.vector_store_idx %arg11[%add3A_339], %select_n3A_233 {add = true} : memref<16400xf32, #tpu.memory_space<vmem>>[vector<16xi32>], vector<16xf32>,
      %mul3A_340 = arith.constant 1025 : i32
      %mul3A_341 = vector.broadcast %mul3A_340 : i32 to vector<16xi32>
      %mul3A_342 = arith.muli %iota3A, %mul3A_341 : vector<16xi32>
      %add3A_343 = arith.addi %mul3A_342, %get3A_172 : vector<16xi32>
      tpu.vector_store_idx %arg11[%add3A_343], %select_n3A_250 {add = true} : memref<16400xf32, #tpu.memory_space<vmem>>[vector<16xi32>], vector<16xf32>,
      %mul3A_344 = arith.constant 1025 : i32
      %mul3A_345 = vector.broadcast %mul3A_344 : i32 to vector<16xi32>
      %mul3A_346 = arith.muli %iota3A, %mul3A_345 : vector<16xi32>
      %add3A_347 = arith.addi %mul3A_346, %get3A_174 : vector<16xi32>
      tpu.vector_store_idx %arg11[%add3A_347], %select_n3A_267 {add = true} : memref<16400xf32, #tpu.memory_space<vmem>>[vector<16xi32>], vector<16xf32>,
      %mul3A_348 = arith.constant 1025 : i32
      %mul3A_349 = vector.broadcast %mul3A_348 : i32 to vector<16xi32>
      %mul3A_350 = arith.muli %iota3A, %mul3A_349 : vector<16xi32>
      %add3A_351 = arith.addi %mul3A_350, %get3A_176 : vector<16xi32>
      tpu.vector_store_idx %arg11[%add3A_351], %select_n3A_284 {add = true} : memref<16400xf32, #tpu.memory_space<vmem>>[vector<16xi32>], vector<16xf32>,
      %mul3A_352 = arith.constant 1025 : i32
      %mul3A_353 = vector.broadcast %mul3A_352 : i32 to vector<16xi32>
      %mul3A_354 = arith.muli %iota3A, %mul3A_353 : vector<16xi32>
      %add3A_355 = arith.addi %mul3A_354, %get3A_178 : vector<16xi32>
      tpu.vector_store_idx %arg11[%add3A_355], %select_n3A_301 {add = true} : memref<16400xf32, #tpu.memory_space<vmem>>[vector<16xi32>], vector<16xf32>,
      %mul3A_356 = arith.constant 1025 : i32
      %mul3A_357 = vector.broadcast %mul3A_356 : i32 to vector<16xi32>
      %mul3A_358 = arith.muli %iota3A, %mul3A_357 : vector<16xi32>
      %add3A_359 = arith.addi %mul3A_358, %get3A_180 : vector<16xi32>
      tpu.vector_store_idx %arg11[%add3A_359], %select_n3A_318 {add = true} : memref<16400xf32, #tpu.memory_space<vmem>>[vector<16xi32>], vector<16xf32>,
      %mul3A_360 = arith.constant 1025 : i32
      %mul3A_361 = vector.broadcast %mul3A_360 : i32 to vector<16xi32>
      %mul3A_362 = arith.muli %iota3A, %mul3A_361 : vector<16xi32>
      %add3A_363 = arith.addi %mul3A_362, %get3A_182 : vector<16xi32>
      tpu.vector_store_idx %arg11[%add3A_363], %select_n3A_335 {add = true} : memref<16400xf32, #tpu.memory_space<vmem>>[vector<16xi32>], vector<16xf32>,
    }
    %while3A_123 = arith.constant 1 : i32
    scf.for %while3A_133 = %while3A_121 to %while3A_117 step %while3A_123  : i32 {
      %mul3A_134 = arith.constant 0 : i32
      %mul3A_135 = arith.muli %mul3A_134, %select_n3A_114 : i32
      %add3A_136 = arith.addi %mul3A_135, %while3A_133 : i32
      %mul3A_137 = arith.constant 16 : i32
      %mul3A_138 = arith.muli %add3A_136, %mul3A_137 : i32
      %mul3A_139 = arith.constant 1 : i32
      %mul3A_140 = arith.muli %mul3A_139, %select_n3A_114 : i32
      %add3A_141 = arith.addi %mul3A_140, %while3A_133 : i32
      %mul3A_142 = arith.constant 16 : i32
      %mul3A_143 = arith.muli %add3A_141, %mul3A_142 : i32
      %mul3A_144 = arith.constant 2 : i32
      %mul3A_145 = arith.muli %mul3A_144, %select_n3A_114 : i32
      %add3A_146 = arith.addi %mul3A_145, %while3A_133 : i32
      %mul3A_147 = arith.constant 16 : i32
      %mul3A_148 = arith.muli %add3A_146, %mul3A_147 : i32
      %mul3A_149 = arith.constant 3 : i32
      %mul3A_150 = arith.muli %mul3A_149, %select_n3A_114 : i32
      %add3A_151 = arith.addi %mul3A_150, %while3A_133 : i32
      %mul3A_152 = arith.constant 16 : i32
      %mul3A_153 = arith.muli %add3A_151, %mul3A_152 : i32
      %mul3A_154 = arith.constant 4 : i32
      %mul3A_155 = arith.muli %mul3A_154, %select_n3A_114 : i32
      %add3A_156 = arith.addi %mul3A_155, %while3A_133 : i32
      %mul3A_157 = arith.constant 16 : i32
      %mul3A_158 = arith.muli %add3A_156, %mul3A_157 : i32
      %mul3A_159 = arith.constant 5 : i32
      %mul3A_160 = arith.muli %mul3A_159, %select_n3A_114 : i32
      %add3A_161 = arith.addi %mul3A_160, %while3A_133 : i32
      %mul3A_162 = arith.constant 16 : i32
      %mul3A_163 = arith.muli %add3A_161, %mul3A_162 : i32
      %mul3A_164 = arith.constant 6 : i32
      %mul3A_165 = arith.muli %mul3A_164, %select_n3A_114 : i32
      %add3A_166 = arith.addi %mul3A_165, %while3A_133 : i32
      %mul3A_167 = arith.constant 16 : i32
      %mul3A_168 = arith.muli %add3A_166, %mul3A_167 : i32
      %get3A_169 = arith.index_cast %mul3A_138 : i32 to index
      %get3A_170 = tpu.vector_load %arg9[%get3A_169] {strides = array<i32>} : memref<3136xi32, #tpu.memory_space<vmem>>, vector<16xi32>,
      %get3A_171 = arith.index_cast %mul3A_143 : i32 to index
      %get3A_172 = tpu.vector_load %arg9[%get3A_171] {strides = array<i32>} : memref<3136xi32, #tpu.memory_space<vmem>>, vector<16xi32>,
      %get3A_173 = arith.index_cast %mul3A_148 : i32 to index
      %get3A_174 = tpu.vector_load %arg9[%get3A_173] {strides = array<i32>} : memref<3136xi32, #tpu.memory_space<vmem>>, vector<16xi32>,
      %get3A_175 = arith.index_cast %mul3A_153 : i32 to index
      %get3A_176 = tpu.vector_load %arg9[%get3A_175] {strides = array<i32>} : memref<3136xi32, #tpu.memory_space<vmem>>, vector<16xi32>,
      %get3A_177 = arith.index_cast %mul3A_158 : i32 to index
      %get3A_178 = tpu.vector_load %arg9[%get3A_177] {strides = array<i32>} : memref<3136xi32, #tpu.memory_space<vmem>>, vector<16xi32>,
      %get3A_179 = arith.index_cast %mul3A_163 : i32 to index
      %get3A_180 = tpu.vector_load %arg9[%get3A_179] {strides = array<i32>} : memref<3136xi32, #tpu.memory_space<vmem>>, vector<16xi32>,
      %get3A_181 = arith.index_cast %mul3A_168 : i32 to index
      %get3A_182 = tpu.vector_load %arg9[%get3A_181] {strides = array<i32>} : memref<3136xi32, #tpu.memory_space<vmem>>, vector<16xi32>,
      %gather3A = tpu.vector_load_idx %arg10[%get3A_170] : memref<1024xi32, #tpu.memory_space<vmem>>[vector<16xi32>], vector<16xi32>,
      %gather3A_183 = tpu.vector_load_idx %arg10[%get3A_172] : memref<1024xi32, #tpu.memory_space<vmem>>[vector<16xi32>], vector<16xi32>,
      %gather3A_184 = tpu.vector_load_idx %arg10[%get3A_174] : memref<1024xi32, #tpu.memory_space<vmem>>[vector<16xi32>], vector<16xi32>,
      %gather3A_185 = tpu.vector_load_idx %arg10[%get3A_176] : memref<1024xi32, #tpu.memory_space<vmem>>[vector<16xi32>], vector<16xi32>,
      %gather3A_186 = tpu.vector_load_idx %arg10[%get3A_178] : memref<1024xi32, #tpu.memory_space<vmem>>[vector<16xi32>], vector<16xi32>,
      %gather3A_187 = tpu.vector_load_idx %arg10[%get3A_180] : memref<1024xi32, #tpu.memory_space<vmem>>[vector<16xi32>], vector<16xi32>,
      %gather3A_188 = tpu.vector_load_idx %arg10[%get3A_182] : memref<1024xi32, #tpu.memory_space<vmem>>[vector<16xi32>], vector<16xi32>,
      %get3A_189 = arith.index_cast %mul3A_138 : i32 to index
      %get3A_190 = tpu.vector_load %arg7[%get3A_189] {strides = array<i32>} : memref<3136xf32, #tpu.memory_space<vmem>>, vector<16xf32>,
      %get3A_191 = arith.index_cast %mul3A_143 : i32 to index
      %get3A_192 = tpu.vector_load %arg7[%get3A_191] {strides = array<i32>} : memref<3136xf32, #tpu.memory_space<vmem>>, vector<16xf32>,
      %get3A_193 = arith.index_cast %mul3A_148 : i32 to index
      %get3A_194 = tpu.vector_load %arg7[%get3A_193] {strides = array<i32>} : memref<3136xf32, #tpu.memory_space<vmem>>, vector<16xf32>,
      %get3A_195 = arith.index_cast %mul3A_153 : i32 to index
      %get3A_196 = tpu.vector_load %arg7[%get3A_195] {strides = array<i32>} : memref<3136xf32, #tpu.memory_space<vmem>>, vector<16xf32>,
      %get3A_197 = arith.index_cast %mul3A_158 : i32 to index
      %get3A_198 = tpu.vector_load %arg7[%get3A_197] {strides = array<i32>} : memref<3136xf32, #tpu.memory_space<vmem>>, vector<16xf32>,
      %get3A_199 = arith.index_cast %mul3A_163 : i32 to index
      %get3A_200 = tpu.vector_load %arg7[%get3A_199] {strides = array<i32>} : memref<3136xf32, #tpu.memory_space<vmem>>, vector<16xf32>,
      %get3A_201 = arith.index_cast %mul3A_168 : i32 to index
      %get3A_202 = tpu.vector_load %arg7[%get3A_201] {strides = array<i32>} : memref<3136xf32, #tpu.memory_space<vmem>>, vector<16xf32>,
      %get3A_203 = arith.index_cast %mul3A_138 : i32 to index
      %get3A_204 = tpu.vector_load %arg8[%get3A_203] {strides = array<i32>} : memref<3136xf32, #tpu.memory_space<vmem>>, vector<16xf32>,
      %get3A_205 = arith.index_cast %mul3A_143 : i32 to index
      %get3A_206 = tpu.vector_load %arg8[%get3A_205] {strides = array<i32>} : memref<3136xf32, #tpu.memory_space<vmem>>, vector<16xf32>,
      %get3A_207 = arith.index_cast %mul3A_148 : i32 to index
      %get3A_208 = tpu.vector_load %arg8[%get3A_207] {strides = array<i32>} : memref<3136xf32, #tpu.memory_space<vmem>>, vector<16xf32>,
      %get3A_209 = arith.index_cast %mul3A_153 : i32 to index
      %get3A_210 = tpu.vector_load %arg8[%get3A_209] {strides = array<i32>} : memref<3136xf32, #tpu.memory_space<vmem>>, vector<16xf32>,
      %get3A_211 = arith.index_cast %mul3A_158 : i32 to index
      %get3A_212 = tpu.vector_load %arg8[%get3A_211] {strides = array<i32>} : memref<3136xf32, #tpu.memory_space<vmem>>, vector<16xf32>,
      %get3A_213 = arith.index_cast %mul3A_163 : i32 to index
      %get3A_214 = tpu.vector_load %arg8[%get3A_213] {strides = array<i32>} : memref<3136xf32, #tpu.memory_space<vmem>>, vector<16xf32>,
      %get3A_215 = arith.index_cast %mul3A_168 : i32 to index
      %get3A_216 = tpu.vector_load %arg8[%get3A_215] {strides = array<i32>} : memref<3136xf32, #tpu.memory_space<vmem>>, vector<16xf32>,
      %ne3A_217 = arith.constant 0.000000e+00 : f32
      %ne3A_218 = vector.broadcast %ne3A_217 : f32 to vector<16xf32>
      %ne3A_219 = arith.cmpf one, %get3A_190, %ne3A_218 : vector<16xf32>
      %jit3A_220 = arith.constant 1.000000e+00 : f32
      %jit3A_221 = arith.constant 0.000000e+00 : f32
      %broadcast_in_dim3A_222 = vector.broadcast %jit3A_220 : f32 to vector<16xf32>
      %broadcast_in_dim3A_223 = vector.broadcast %jit3A_221 : f32 to vector<16xf32>
      %select_n3A_224 = arith.select %ne3A_219, %broadcast_in_dim3A_222, %broadcast_in_dim3A_223 : vector<16xi1>, vector<16xf32>
      %eq3A_225 = arith.constant 0 : i32
      %eq3A_226 = vector.broadcast %eq3A_225 : i32 to vector<16xi32>
      %eq3A_227 = arith.cmpi eq, %gather3A, %eq3A_226 : vector<16xi32>
      %eq3A_228 = arith.constant 1 : i32
      %eq3A_229 = vector.broadcast %eq3A_228 : i32 to vector<16xi32>
      %eq3A_230 = arith.cmpi eq, %gather3A, %eq3A_229 : vector<16xi32>
      %mul3A_231 = arith.mulf %get3A_190, %get3A_204 : vector<16xf32>
      %select_n3A_232 = arith.select %eq3A_230, %get3A_190, %mul3A_231 : vector<16xi1>, vector<16xf32>
      %select_n3A_233 = arith.select %eq3A_227, %select_n3A_224, %select_n3A_232 : vector<16xi1>, vector<16xf32>
      %ne3A_234 = arith.constant 0.000000e+00 : f32
      %ne3A_235 = vector.broadcast %ne3A_234 : f32 to vector<16xf32>
      %ne3A_236 = arith.cmpf one, %get3A_192, %ne3A_235 : vector<16xf32>
      %jit3A_237 = arith.constant 1.000000e+00 : f32
      %jit3A_238 = arith.constant 0.000000e+00 : f32
      %broadcast_in_dim3A_239 = vector.broadcast %jit3A_237 : f32 to vector<16xf32>
      %broadcast_in_dim3A_240 = vector.broadcast %jit3A_238 : f32 to vector<16xf32>
      %select_n3A_241 = arith.select %ne3A_236, %broadcast_in_dim3A_239, %broadcast_in_dim3A_240 : vector<16xi1>, vector<16xf32>
      %eq3A_242 = arith.constant 0 : i32
      %eq3A_243 = vector.broadcast %eq3A_242 : i32 to vector<16xi32>
      %eq3A_244 = arith.cmpi eq, %gather3A_183, %eq3A_243 : vector<16xi32>
      %eq3A_245 = arith.constant 1 : i32
      %eq3A_246 = vector.broadcast %eq3A_245 : i32 to vector<16xi32>
      %eq3A_247 = arith.cmpi eq, %gather3A_183, %eq3A_246 : vector<16xi32>
      %mul3A_248 = arith.mulf %get3A_192, %get3A_206 : vector<16xf32>
      %select_n3A_249 = arith.select %eq3A_247, %get3A_192, %mul3A_248 : vector<16xi1>, vector<16xf32>
      %select_n3A_250 = arith.select %eq3A_244, %select_n3A_241, %select_n3A_249 : vector<16xi1>, vector<16xf32>
      %ne3A_251 = arith.constant 0.000000e+00 : f32
      %ne3A_252 = vector.broadcast %ne3A_251 : f32 to vector<16xf32>
      %ne3A_253 = arith.cmpf one, %get3A_194, %ne3A_252 : vector<16xf32>
      %jit3A_254 = arith.constant 1.000000e+00 : f32
      %jit3A_255 = arith.constant 0.000000e+00 : f32
      %broadcast_in_dim3A_256 = vector.broadcast %jit3A_254 : f32 to vector<16xf32>
      %broadcast_in_dim3A_257 = vector.broadcast %jit3A_255 : f32 to vector<16xf32>
      %select_n3A_258 = arith.select %ne3A_253, %broadcast_in_dim3A_256, %broadcast_in_dim3A_257 : vector<16xi1>, vector<16xf32>
      %eq3A_259 = arith.constant 0 : i32
      %eq3A_260 = vector.broadcast %eq3A_259 : i32 to vector<16xi32>
      %eq3A_261 = arith.cmpi eq, %gather3A_184, %eq3A_260 : vector<16xi32>
      %eq3A_262 = arith.constant 1 : i32
      %eq3A_263 = vector.broadcast %eq3A_262 : i32 to vector<16xi32>
      %eq3A_264 = arith.cmpi eq, %gather3A_184, %eq3A_263 : vector<16xi32>
      %mul3A_265 = arith.mulf %get3A_194, %get3A_208 : vector<16xf32>
      %select_n3A_266 = arith.select %eq3A_264, %get3A_194, %mul3A_265 : vector<16xi1>, vector<16xf32>
      %select_n3A_267 = arith.select %eq3A_261, %select_n3A_258, %select_n3A_266 : vector<16xi1>, vector<16xf32>
      %ne3A_268 = arith.constant 0.000000e+00 : f32
      %ne3A_269 = vector.broadcast %ne3A_268 : f32 to vector<16xf32>
      %ne3A_270 = arith.cmpf one, %get3A_196, %ne3A_269 : vector<16xf32>
      %jit3A_271 = arith.constant 1.000000e+00 : f32
      %jit3A_272 = arith.constant 0.000000e+00 : f32
      %broadcast_in_dim3A_273 = vector.broadcast %jit3A_271 : f32 to vector<16xf32>
      %broadcast_in_dim3A_274 = vector.broadcast %jit3A_272 : f32 to vector<16xf32>
      %select_n3A_275 = arith.select %ne3A_270, %broadcast_in_dim3A_273, %broadcast_in_dim3A_274 : vector<16xi1>, vector<16xf32>
      %eq3A_276 = arith.constant 0 : i32
      %eq3A_277 = vector.broadcast %eq3A_276 : i32 to vector<16xi32>
      %eq3A_278 = arith.cmpi eq, %gather3A_185, %eq3A_277 : vector<16xi32>
      %eq3A_279 = arith.constant 1 : i32
      %eq3A_280 = vector.broadcast %eq3A_279 : i32 to vector<16xi32>
      %eq3A_281 = arith.cmpi eq, %gather3A_185, %eq3A_280 : vector<16xi32>
      %mul3A_282 = arith.mulf %get3A_196, %get3A_210 : vector<16xf32>
      %select_n3A_283 = arith.select %eq3A_281, %get3A_196, %mul3A_282 : vector<16xi1>, vector<16xf32>
      %select_n3A_284 = arith.select %eq3A_278, %select_n3A_275, %select_n3A_283 : vector<16xi1>, vector<16xf32>
      %ne3A_285 = arith.constant 0.000000e+00 : f32
      %ne3A_286 = vector.broadcast %ne3A_285 : f32 to vector<16xf32>
      %ne3A_287 = arith.cmpf one, %get3A_198, %ne3A_286 : vector<16xf32>
      %jit3A_288 = arith.constant 1.000000e+00 : f32
      %jit3A_289 = arith.constant 0.000000e+00 : f32
      %broadcast_in_dim3A_290 = vector.broadcast %jit3A_288 : f32 to vector<16xf32>
      %broadcast_in_dim3A_291 = vector.broadcast %jit3A_289 : f32 to vector<16xf32>
      %select_n3A_292 = arith.select %ne3A_287, %broadcast_in_dim3A_290, %broadcast_in_dim3A_291 : vector<16xi1>, vector<16xf32>
      %eq3A_293 = arith.constant 0 : i32
      %eq3A_294 = vector.broadcast %eq3A_293 : i32 to vector<16xi32>
      %eq3A_295 = arith.cmpi eq, %gather3A_186, %eq3A_294 : vector<16xi32>
      %eq3A_296 = arith.constant 1 : i32
      %eq3A_297 = vector.broadcast %eq3A_296 : i32 to vector<16xi32>
      %eq3A_298 = arith.cmpi eq, %gather3A_186, %eq3A_297 : vector<16xi32>
      %mul3A_299 = arith.mulf %get3A_198, %get3A_212 : vector<16xf32>
      %select_n3A_300 = arith.select %eq3A_298, %get3A_198, %mul3A_299 : vector<16xi1>, vector<16xf32>
      %select_n3A_301 = arith.select %eq3A_295, %select_n3A_292, %select_n3A_300 : vector<16xi1>, vector<16xf32>
      %ne3A_302 = arith.constant 0.000000e+00 : f32
      %ne3A_303 = vector.broadcast %ne3A_302 : f32 to vector<16xf32>
      %ne3A_304 = arith.cmpf one, %get3A_200, %ne3A_303 : vector<16xf32>
      %jit3A_305 = arith.constant 1.000000e+00 : f32
      %jit3A_306 = arith.constant 0.000000e+00 : f32
      %broadcast_in_dim3A_307 = vector.broadcast %jit3A_305 : f32 to vector<16xf32>
      %broadcast_in_dim3A_308 = vector.broadcast %jit3A_306 : f32 to vector<16xf32>
      %select_n3A_309 = arith.select %ne3A_304, %broadcast_in_dim3A_307, %broadcast_in_dim3A_308 : vector<16xi1>, vector<16xf32>
      %eq3A_310 = arith.constant 0 : i32
      %eq3A_311 = vector.broadcast %eq3A_310 : i32 to vector<16xi32>
      %eq3A_312 = arith.cmpi eq, %gather3A_187, %eq3A_311 : vector<16xi32>
      %eq3A_313 = arith.constant 1 : i32
      %eq3A_314 = vector.broadcast %eq3A_313 : i32 to vector<16xi32>
      %eq3A_315 = arith.cmpi eq, %gather3A_187, %eq3A_314 : vector<16xi32>
      %mul3A_316 = arith.mulf %get3A_200, %get3A_214 : vector<16xf32>
      %select_n3A_317 = arith.select %eq3A_315, %get3A_200, %mul3A_316 : vector<16xi1>, vector<16xf32>
      %select_n3A_318 = arith.select %eq3A_312, %select_n3A_309, %select_n3A_317 : vector<16xi1>, vector<16xf32>
      %ne3A_319 = arith.constant 0.000000e+00 : f32
      %ne3A_320 = vector.broadcast %ne3A_319 : f32 to vector<16xf32>
      %ne3A_321 = arith.cmpf one, %get3A_202, %ne3A_320 : vector<16xf32>
      %jit3A_322 = arith.constant 1.000000e+00 : f32
      %jit3A_323 = arith.constant 0.000000e+00 : f32
      %broadcast_in_dim3A_324 = vector.broadcast %jit3A_322 : f32 to vector<16xf32>
      %broadcast_in_dim3A_325 = vector.broadcast %jit3A_323 : f32 to vector<16xf32>
      %select_n3A_326 = arith.select %ne3A_321, %broadcast_in_dim3A_324, %broadcast_in_dim3A_325 : vector<16xi1>, vector<16xf32>
      %eq3A_327 = arith.constant 0 : i32
      %eq3A_328 = vector.broadcast %eq3A_327 : i32 to vector<16xi32>
      %eq3A_329 = arith.cmpi eq, %gather3A_188, %eq3A_328 : vector<16xi32>
      %eq3A_330 = arith.constant 1 : i32
      %eq3A_331 = vector.broadcast %eq3A_330 : i32 to vector<16xi32>
      %eq3A_332 = arith.cmpi eq, %gather3A_188, %eq3A_331 : vector<16xi32>
      %mul3A_333 = arith.mulf %get3A_202, %get3A_216 : vector<16xf32>
      %select_n3A_334 = arith.select %eq3A_332, %get3A_202, %mul3A_333 : vector<16xi1>, vector<16xf32>
      %select_n3A_335 = arith.select %eq3A_329, %select_n3A_326, %select_n3A_334 : vector<16xi1>, vector<16xf32>
      %mul3A_336 = arith.constant 1025 : i32
      %mul3A_337 = vector.broadcast %mul3A_336 : i32 to vector<16xi32>
      %mul3A_338 = arith.muli %iota3A, %mul3A_337 : vector<16xi32>
      %add3A_339 = arith.addi %mul3A_338, %get3A_170 : vector<16xi32>
      tpu.vector_store_idx %arg11[%add3A_339], %select_n3A_233 {add = true} : memref<16400xf32, #tpu.memory_space<vmem>>[vector<16xi32>], vector<16xf32>,
      %mul3A_340 = arith.constant 1025 : i32
      %mul3A_341 = vector.broadcast %mul3A_340 : i32 to vector<16xi32>
      %mul3A_342 = arith.muli %iota3A, %mul3A_341 : vector<16xi32>
      %add3A_343 = arith.addi %mul3A_342, %get3A_172 : vector<16xi32>
      tpu.vector_store_idx %arg11[%add3A_343], %select_n3A_250 {add = true} : memref<16400xf32, #tpu.memory_space<vmem>>[vector<16xi32>], vector<16xf32>,
      %mul3A_344 = arith.constant 1025 : i32
      %mul3A_345 = vector.broadcast %mul3A_344 : i32 to vector<16xi32>
      %mul3A_346 = arith.muli %iota3A, %mul3A_345 : vector<16xi32>
      %add3A_347 = arith.addi %mul3A_346, %get3A_174 : vector<16xi32>
      tpu.vector_store_idx %arg11[%add3A_347], %select_n3A_267 {add = true} : memref<16400xf32, #tpu.memory_space<vmem>>[vector<16xi32>], vector<16xf32>,
      %mul3A_348 = arith.constant 1025 : i32
      %mul3A_349 = vector.broadcast %mul3A_348 : i32 to vector<16xi32>
      %mul3A_350 = arith.muli %iota3A, %mul3A_349 : vector<16xi32>
      %add3A_351 = arith.addi %mul3A_350, %get3A_176 : vector<16xi32>
      tpu.vector_store_idx %arg11[%add3A_351], %select_n3A_284 {add = true} : memref<16400xf32, #tpu.memory_space<vmem>>[vector<16xi32>], vector<16xf32>,
      %mul3A_352 = arith.constant 1025 : i32
      %mul3A_353 = vector.broadcast %mul3A_352 : i32 to vector<16xi32>
      %mul3A_354 = arith.muli %iota3A, %mul3A_353 : vector<16xi32>
      %add3A_355 = arith.addi %mul3A_354, %get3A_178 : vector<16xi32>
      tpu.vector_store_idx %arg11[%add3A_355], %select_n3A_301 {add = true} : memref<16400xf32, #tpu.memory_space<vmem>>[vector<16xi32>], vector<16xf32>,
      %mul3A_356 = arith.constant 1025 : i32
      %mul3A_357 = vector.broadcast %mul3A_356 : i32 to vector<16xi32>
      %mul3A_358 = arith.muli %iota3A, %mul3A_357 : vector<16xi32>
      %add3A_359 = arith.addi %mul3A_358, %get3A_180 : vector<16xi32>
      tpu.vector_store_idx %arg11[%add3A_359], %select_n3A_318 {add = true} : memref<16400xf32, #tpu.memory_space<vmem>>[vector<16xi32>], vector<16xf32>,
      %mul3A_360 = arith.constant 1025 : i32
      %mul3A_361 = vector.broadcast %mul3A_360 : i32 to vector<16xi32>
      %mul3A_362 = arith.muli %iota3A, %mul3A_361 : vector<16xi32>
      %add3A_363 = arith.addi %mul3A_362, %get3A_182 : vector<16xi32>
      tpu.vector_store_idx %arg11[%add3A_363], %select_n3A_335 {add = true} : memref<16400xf32, #tpu.memory_space<vmem>>[vector<16xi32>], vector<16xf32>,
    }
    %while3A_124 = arith.constant 0 : i32
    %while3A_125 = arith.subi %sub3A_77, %while3A_124 : i32
    %while3A_126 = arith.addi %while3A_124, %while3A_125 : i32
    %while3A_127 = arith.constant 1 : i32
    %while3A_128 = arith.divsi %while3A_125, %while3A_127 : i32
    %while3A_129 = arith.muli %while3A_128, %while3A_127 : i32
    %while3A_130 = arith.addi %while3A_124, %while3A_129 : i32
    %while3A_131 = arith.constant 1 : i32
    scf.for %while3A_133 = %while3A_124 to %while3A_130 step %while3A_131  : i32 {
      %add3A_134 = arith.addi %select_n3A_50, %while3A_133 : i32
      %mul3A_135 = arith.constant 16 : i32
      %mul3A_136 = arith.muli %add3A_134, %mul3A_135 : i32
      %get3A_137 = arith.index_cast %mul3A_136 : i32 to index
      %get3A_138 = tpu.vector_load %arg11[%get3A_137] {strides = array<i32>} : memref<16400xf32, #tpu.memory_space<vmem>>, vector<16xf32>,
      %add3A_139 = arith.constant 1025 : i32
      %add3A_140 = arith.addi %add3A_139, %mul3A_136 : i32
      %get3A_141 = arith.index_cast %add3A_140 : i32 to index
      %get3A_142 = tpu.vector_load %arg11[%get3A_141] {strides = array<i32>} : memref<16400xf32, #tpu.memory_space<vmem>>, vector<16xf32>,
      %add3A_143 = arith.addf %get3A_138, %get3A_142 : vector<16xf32>
      %add3A_144 = arith.constant 2050 : i32
      %add3A_145 = arith.addi %add3A_144, %mul3A_136 : i32
      %get3A_146 = arith.index_cast %add3A_145 : i32 to index
      %get3A_147 = tpu.vector_load %arg11[%get3A_146] {strides = array<i32>} : memref<16400xf32, #tpu.memory_space<vmem>>, vector<16xf32>,
      %add3A_148 = arith.addf %add3A_143, %get3A_147 : vector<16xf32>
      %add3A_149 = arith.constant 3075 : i32
      %add3A_150 = arith.addi %add3A_149, %mul3A_136 : i32
      %get3A_151 = arith.index_cast %add3A_150 : i32 to index
      %get3A_152 = tpu.vector_load %arg11[%get3A_151] {strides = array<i32>} : memref<16400xf32, #tpu.memory_space<vmem>>, vector<16xf32>,
      %add3A_153 = arith.addf %add3A_148, %get3A_152 : vector<16xf32>
      %add3A_154 = arith.constant 4100 : i32
      %add3A_155 = arith.addi %add3A_154, %mul3A_136 : i32
      %get3A_156 = arith.index_cast %add3A_155 : i32 to index
      %get3A_157 = tpu.vector_load %arg11[%get3A_156] {strides = array<i32>} : memref<16400xf32, #tpu.memory_space<vmem>>, vector<16xf32>,
      %add3A_158 = arith.addf %add3A_153, %get3A_157 : vector<16xf32>
      %add3A_159 = arith.constant 5125 : i32
      %add3A_160 = arith.addi %add3A_159, %mul3A_136 : i32
      %get3A_161 = arith.index_cast %add3A_160 : i32 to index
      %get3A_162 = tpu.vector_load %arg11[%get3A_161] {strides = array<i32>} : memref<16400xf32, #tpu.memory_space<vmem>>, vector<16xf32>,
      %add3A_163 = arith.addf %add3A_158, %get3A_162 : vector<16xf32>
      %add3A_164 = arith.constant 6150 : i32
      %add3A_165 = arith.addi %add3A_164, %mul3A_136 : i32
      %get3A_166 = arith.index_cast %add3A_165 : i32 to index
      %get3A_167 = tpu.vector_load %arg11[%get3A_166] {strides = array<i32>} : memref<16400xf32, #tpu.memory_space<vmem>>, vector<16xf32>,
      %add3A_168 = arith.addf %add3A_163, %get3A_167 : vector<16xf32>
      %add3A_169 = arith.constant 7175 : i32
      %add3A_170 = arith.addi %add3A_169, %mul3A_136 : i32
      %get3A_171 = arith.index_cast %add3A_170 : i32 to index
      %get3A_172 = tpu.vector_load %arg11[%get3A_171] {strides = array<i32>} : memref<16400xf32, #tpu.memory_space<vmem>>, vector<16xf32>,
      %add3A_173 = arith.addf %add3A_168, %get3A_172 : vector<16xf32>
      %add3A_174 = arith.constant 8200 : i32
      %add3A_175 = arith.addi %add3A_174, %mul3A_136 : i32
      %get3A_176 = arith.index_cast %add3A_175 : i32 to index
      %get3A_177 = tpu.vector_load %arg11[%get3A_176] {strides = array<i32>} : memref<16400xf32, #tpu.memory_space<vmem>>, vector<16xf32>,
      %add3A_178 = arith.addf %add3A_173, %get3A_177 : vector<16xf32>
      %add3A_179 = arith.constant 9225 : i32
      %add3A_180 = arith.addi %add3A_179, %mul3A_136 : i32
      %get3A_181 = arith.index_cast %add3A_180 : i32 to index
      %get3A_182 = tpu.vector_load %arg11[%get3A_181] {strides = array<i32>} : memref<16400xf32, #tpu.memory_space<vmem>>, vector<16xf32>,
      %add3A_183 = arith.addf %add3A_178, %get3A_182 : vector<16xf32>
      %add3A_184 = arith.constant 10250 : i32
      %add3A_185 = arith.addi %add3A_184, %mul3A_136 : i32
      %get3A_186 = arith.index_cast %add3A_185 : i32 to index
      %get3A_187 = tpu.vector_load %arg11[%get3A_186] {strides = array<i32>} : memref<16400xf32, #tpu.memory_space<vmem>>, vector<16xf32>,
      %add3A_188 = arith.addf %add3A_183, %get3A_187 : vector<16xf32>
      %add3A_189 = arith.constant 11275 : i32
      %add3A_190 = arith.addi %add3A_189, %mul3A_136 : i32
      %get3A_191 = arith.index_cast %add3A_190 : i32 to index
      %get3A_192 = tpu.vector_load %arg11[%get3A_191] {strides = array<i32>} : memref<16400xf32, #tpu.memory_space<vmem>>, vector<16xf32>,
      %add3A_193 = arith.addf %add3A_188, %get3A_192 : vector<16xf32>
      %add3A_194 = arith.constant 12300 : i32
      %add3A_195 = arith.addi %add3A_194, %mul3A_136 : i32
      %get3A_196 = arith.index_cast %add3A_195 : i32 to index
      %get3A_197 = tpu.vector_load %arg11[%get3A_196] {strides = array<i32>} : memref<16400xf32, #tpu.memory_space<vmem>>, vector<16xf32>,
      %add3A_198 = arith.addf %add3A_193, %get3A_197 : vector<16xf32>
      %add3A_199 = arith.constant 13325 : i32
      %add3A_200 = arith.addi %add3A_199, %mul3A_136 : i32
      %get3A_201 = arith.index_cast %add3A_200 : i32 to index
      %get3A_202 = tpu.vector_load %arg11[%get3A_201] {strides = array<i32>} : memref<16400xf32, #tpu.memory_space<vmem>>, vector<16xf32>,
      %add3A_203 = arith.addf %add3A_198, %get3A_202 : vector<16xf32>
      %add3A_204 = arith.constant 14350 : i32
      %add3A_205 = arith.addi %add3A_204, %mul3A_136 : i32
      %get3A_206 = arith.index_cast %add3A_205 : i32 to index
      %get3A_207 = tpu.vector_load %arg11[%get3A_206] {strides = array<i32>} : memref<16400xf32, #tpu.memory_space<vmem>>, vector<16xf32>,
      %add3A_208 = arith.addf %add3A_203, %get3A_207 : vector<16xf32>
      %add3A_209 = arith.constant 15375 : i32
      %add3A_210 = arith.addi %add3A_209, %mul3A_136 : i32
      %get3A_211 = arith.index_cast %add3A_210 : i32 to index
      %get3A_212 = tpu.vector_load %arg11[%get3A_211] {strides = array<i32>} : memref<16400xf32, #tpu.memory_space<vmem>>, vector<16xf32>,
      %add3A_213 = arith.addf %add3A_208, %get3A_212 : vector<16xf32>
      %swap3A = arith.index_cast %mul3A_136 : i32 to index
      %swap3A_214 = tpu.vector_load %arg12[%swap3A] {strides = array<i32>} : memref<1024xf32, #tpu.memory_space<vmem>>, vector<16xf32>,
      tpu.vector_store %arg12[%swap3A], %add3A_213 {strides = array<i32>} : memref<1024xf32, #tpu.memory_space<vmem>>, vector<16xf32>,
    }
    %while3A_132 = arith.constant 1 : i32
    scf.for %while3A_133 = %while3A_130 to %while3A_126 step %while3A_132  : i32 {
      %add3A_134 = arith.addi %select_n3A_50, %while3A_133 : i32
      %mul3A_135 = arith.constant 16 : i32
      %mul3A_136 = arith.muli %add3A_134, %mul3A_135 : i32
      %get3A_137 = arith.index_cast %mul3A_136 : i32 to index
      %get3A_138 = tpu.vector_load %arg11[%get3A_137] {strides = array<i32>} : memref<16400xf32, #tpu.memory_space<vmem>>, vector<16xf32>,
      %add3A_139 = arith.constant 1025 : i32
      %add3A_140 = arith.addi %add3A_139, %mul3A_136 : i32
      %get3A_141 = arith.index_cast %add3A_140 : i32 to index
      %get3A_142 = tpu.vector_load %arg11[%get3A_141] {strides = array<i32>} : memref<16400xf32, #tpu.memory_space<vmem>>, vector<16xf32>,
      %add3A_143 = arith.addf %get3A_138, %get3A_142 : vector<16xf32>
      %add3A_144 = arith.constant 2050 : i32
      %add3A_145 = arith.addi %add3A_144, %mul3A_136 : i32
      %get3A_146 = arith.index_cast %add3A_145 : i32 to index
      %get3A_147 = tpu.vector_load %arg11[%get3A_146] {strides = array<i32>} : memref<16400xf32, #tpu.memory_space<vmem>>, vector<16xf32>,
      %add3A_148 = arith.addf %add3A_143, %get3A_147 : vector<16xf32>
      %add3A_149 = arith.constant 3075 : i32
      %add3A_150 = arith.addi %add3A_149, %mul3A_136 : i32
      %get3A_151 = arith.index_cast %add3A_150 : i32 to index
      %get3A_152 = tpu.vector_load %arg11[%get3A_151] {strides = array<i32>} : memref<16400xf32, #tpu.memory_space<vmem>>, vector<16xf32>,
      %add3A_153 = arith.addf %add3A_148, %get3A_152 : vector<16xf32>
      %add3A_154 = arith.constant 4100 : i32
      %add3A_155 = arith.addi %add3A_154, %mul3A_136 : i32
      %get3A_156 = arith.index_cast %add3A_155 : i32 to index
      %get3A_157 = tpu.vector_load %arg11[%get3A_156] {strides = array<i32>} : memref<16400xf32, #tpu.memory_space<vmem>>, vector<16xf32>,
      %add3A_158 = arith.addf %add3A_153, %get3A_157 : vector<16xf32>
      %add3A_159 = arith.constant 5125 : i32
      %add3A_160 = arith.addi %add3A_159, %mul3A_136 : i32
      %get3A_161 = arith.index_cast %add3A_160 : i32 to index
      %get3A_162 = tpu.vector_load %arg11[%get3A_161] {strides = array<i32>} : memref<16400xf32, #tpu.memory_space<vmem>>, vector<16xf32>,
      %add3A_163 = arith.addf %add3A_158, %get3A_162 : vector<16xf32>
      %add3A_164 = arith.constant 6150 : i32
      %add3A_165 = arith.addi %add3A_164, %mul3A_136 : i32
      %get3A_166 = arith.index_cast %add3A_165 : i32 to index
      %get3A_167 = tpu.vector_load %arg11[%get3A_166] {strides = array<i32>} : memref<16400xf32, #tpu.memory_space<vmem>>, vector<16xf32>,
      %add3A_168 = arith.addf %add3A_163, %get3A_167 : vector<16xf32>
      %add3A_169 = arith.constant 7175 : i32
      %add3A_170 = arith.addi %add3A_169, %mul3A_136 : i32
      %get3A_171 = arith.index_cast %add3A_170 : i32 to index
      %get3A_172 = tpu.vector_load %arg11[%get3A_171] {strides = array<i32>} : memref<16400xf32, #tpu.memory_space<vmem>>, vector<16xf32>,
      %add3A_173 = arith.addf %add3A_168, %get3A_172 : vector<16xf32>
      %add3A_174 = arith.constant 8200 : i32
      %add3A_175 = arith.addi %add3A_174, %mul3A_136 : i32
      %get3A_176 = arith.index_cast %add3A_175 : i32 to index
      %get3A_177 = tpu.vector_load %arg11[%get3A_176] {strides = array<i32>} : memref<16400xf32, #tpu.memory_space<vmem>>, vector<16xf32>,
      %add3A_178 = arith.addf %add3A_173, %get3A_177 : vector<16xf32>
      %add3A_179 = arith.constant 9225 : i32
      %add3A_180 = arith.addi %add3A_179, %mul3A_136 : i32
      %get3A_181 = arith.index_cast %add3A_180 : i32 to index
      %get3A_182 = tpu.vector_load %arg11[%get3A_181] {strides = array<i32>} : memref<16400xf32, #tpu.memory_space<vmem>>, vector<16xf32>,
      %add3A_183 = arith.addf %add3A_178, %get3A_182 : vector<16xf32>
      %add3A_184 = arith.constant 10250 : i32
      %add3A_185 = arith.addi %add3A_184, %mul3A_136 : i32
      %get3A_186 = arith.index_cast %add3A_185 : i32 to index
      %get3A_187 = tpu.vector_load %arg11[%get3A_186] {strides = array<i32>} : memref<16400xf32, #tpu.memory_space<vmem>>, vector<16xf32>,
      %add3A_188 = arith.addf %add3A_183, %get3A_187 : vector<16xf32>
      %add3A_189 = arith.constant 11275 : i32
      %add3A_190 = arith.addi %add3A_189, %mul3A_136 : i32
      %get3A_191 = arith.index_cast %add3A_190 : i32 to index
      %get3A_192 = tpu.vector_load %arg11[%get3A_191] {strides = array<i32>} : memref<16400xf32, #tpu.memory_space<vmem>>, vector<16xf32>,
      %add3A_193 = arith.addf %add3A_188, %get3A_192 : vector<16xf32>
      %add3A_194 = arith.constant 12300 : i32
      %add3A_195 = arith.addi %add3A_194, %mul3A_136 : i32
      %get3A_196 = arith.index_cast %add3A_195 : i32 to index
      %get3A_197 = tpu.vector_load %arg11[%get3A_196] {strides = array<i32>} : memref<16400xf32, #tpu.memory_space<vmem>>, vector<16xf32>,
      %add3A_198 = arith.addf %add3A_193, %get3A_197 : vector<16xf32>
      %add3A_199 = arith.constant 13325 : i32
      %add3A_200 = arith.addi %add3A_199, %mul3A_136 : i32
      %get3A_201 = arith.index_cast %add3A_200 : i32 to index
      %get3A_202 = tpu.vector_load %arg11[%get3A_201] {strides = array<i32>} : memref<16400xf32, #tpu.memory_space<vmem>>, vector<16xf32>,
      %add3A_203 = arith.addf %add3A_198, %get3A_202 : vector<16xf32>
      %add3A_204 = arith.constant 14350 : i32
      %add3A_205 = arith.addi %add3A_204, %mul3A_136 : i32
      %get3A_206 = arith.index_cast %add3A_205 : i32 to index
      %get3A_207 = tpu.vector_load %arg11[%get3A_206] {strides = array<i32>} : memref<16400xf32, #tpu.memory_space<vmem>>, vector<16xf32>,
      %add3A_208 = arith.addf %add3A_203, %get3A_207 : vector<16xf32>
      %add3A_209 = arith.constant 15375 : i32
      %add3A_210 = arith.addi %add3A_209, %mul3A_136 : i32
      %get3A_211 = arith.index_cast %add3A_210 : i32 to index
      %get3A_212 = tpu.vector_load %arg11[%get3A_211] {strides = array<i32>} : memref<16400xf32, #tpu.memory_space<vmem>>, vector<16xf32>,
      %add3A_213 = arith.addf %add3A_208, %get3A_212 : vector<16xf32>
      %swap3A = arith.index_cast %mul3A_136 : i32 to index
      %swap3A_214 = tpu.vector_load %arg12[%swap3A] {strides = array<i32>} : memref<1024xf32, #tpu.memory_space<vmem>>, vector<16xf32>,
      tpu.vector_store %arg12[%swap3A], %add3A_213 {strides = array<i32>} : memref<1024xf32, #tpu.memory_space<vmem>>, vector<16xf32>,
    }
    "tpu.region"() ({
      %run_scoped3A = tpu.sem_alloc : memref<!tpu.dma_semaphore, #tpu.memory_space<semaphore_mem>>
      %dma_start3A = arith.constant 0 : i32
      %dma_start3A_133 = tpu.memref_slice %arg6[%add3A, %dma_start3A] : memref<32x1024xf32, #tpu.memory_space<hbm>> -> memref<1x1024xf32, #tpu.memory_space<hbm>>
      %dma_start3A_134 = tpu.memref_squeeze %dma_start3A_133 : memref<1x1024xf32, #tpu.memory_space<hbm>> -> memref<1024xf32, #tpu.memory_space<hbm>>
      %dma_start3A_135 = arith.constant 0 : i32
      %dma_start3A_136 = tpu.memref_slice %arg6[%add3A, %dma_start3A_135] : memref<32x1024xf32, #tpu.memory_space<hbm>> -> memref<1x1024xf32, #tpu.memory_space<hbm>>
      %dma_start3A_137 = tpu.memref_squeeze %dma_start3A_136 : memref<1x1024xf32, #tpu.memory_space<hbm>> -> memref<1024xf32, #tpu.memory_space<hbm>>
      tpu.enqueue_dma source(%arg12 : memref<1024xf32, #tpu.memory_space<vmem>>) target(%dma_start3A_137 : memref<1024xf32, #tpu.memory_space<hbm>>) target_semaphore(%run_scoped3A : memref<!tpu.dma_semaphore, #tpu.memory_space<semaphore_mem>>)
      %dma_wait3A = arith.constant 0 : i32
      %dma_wait3A_138 = tpu.memref_slice %arg6[%add3A, %dma_wait3A] : memref<32x1024xf32, #tpu.memory_space<hbm>> -> memref<1x1024xf32, #tpu.memory_space<hbm>>
      %dma_wait3A_139 = tpu.memref_squeeze %dma_wait3A_138 : memref<1x1024xf32, #tpu.memory_space<hbm>> -> memref<1024xf32, #tpu.memory_space<hbm>>
      %dma_wait3A_140 = arith.constant 0 : i32
      %dma_wait3A_141 = tpu.memref_slice %arg6[%add3A, %dma_wait3A_140] : memref<32x1024xf32, #tpu.memory_space<hbm>> -> memref<1x1024xf32, #tpu.memory_space<hbm>>
      %dma_wait3A_142 = tpu.memref_squeeze %dma_wait3A_141 : memref<1x1024xf32, #tpu.memory_space<hbm>> -> memref<1024xf32, #tpu.memory_space<hbm>>
      tpu.wait_dma2 semaphore(%run_scoped3A : memref<!tpu.dma_semaphore, #tpu.memory_space<semaphore_mem>>) src(%arg12 : memref<1024xf32, #tpu.memory_space<vmem>>) dst(%dma_wait3A_142 : memref<1024xf32, #tpu.memory_space<hbm>>)
      tpu.yield
    }) : () -> ()
    return
  }
}

</mosaic_0001>

<sc_bundles>
// kernel: _sc_partials.3.cloned.1.call-start
scs
__scs_entry_jumppad:
0x0: {  	(pc) =	sbr.rel $0x88, $3  }
0x1: {  	(tag) =	ssettag $0x0;
	lr =	simm.s32 $0x1  }
0x2: {  	[smem:$0x3F9D] =	sst lr;
	_ =	strace $0xD0000000  }
0x3: {  	_ = 	snop  }
0x4: {  	_ = 	snop  }
0x5: {  	_ = 	snop  }
0x6: {  	_ = 	snop  }
0x7: {  	_ = 	snop  }
__scs_overlays_trampoline_lowered:
0x8: {  	[smem:$0x3FAC] =	sst s0  }
0x9: {  	[smem:$0x3FAD] =	sst s1  }
0xa: {  	[smem:$0x3FAE] =	sst s2  }
0xb: {  	[smem:$0x3FAF] =	sst s3  }
0xc: {  	[smem:$0x3FB0] =	sst s4  }
0xd: {  	[smem:$0x3FB1] =	sst s5  }
0xe: {  	[smem:$0x3FB2] =	sst s6  }
0xf: {  	[smem:$0x3FB3] =	sst s7  }
0x10: {  	[smem:$0x3FB4] =	sst s8  }
0x11: {  	[smem:$0x3FB5] =	sst s9;
	s0 =	simm.s32 @!p0 $0x0  }
0x12: {  	s1 =	sld [smem:$0x3F9B];
	s0 =	simm.s32 @p0 $0x1  }
0x13: {  	[smem:$0x3FB6] =	sst s0;
	s0 =	simm.s32 @!p1 $0x0  }
0x14: {  	s2 =	sld [smem:$0x3F9A];
	s0 =	simm.s32 @p1 $0x1  }
0x15: {  	[smem:$0x3FB7] =	sst s0;
	s0 =	simm.s32 @!p2 $0x0  }
0x16: {  	s3 =	sld [smem:$0x3FDB];
	s0 =	simm.s32 @p2 $0x1  }
0x17: {  	s4 =	simm.s32 $0x1BF5;
	[smem:$0x3FB9] =	sst s0  }
0x18: {  	s0 =	sld [smem:$0x3F9C];
	_ =	swait.ge [sflag:s4], $0x0  }
0x19: {  	s7 =	sld [smem:$0x3F9D]  }
0x1a: {  	s8 =	sadd.s32 $0xFFFFE003, lr  }
0x1b: {  	s9 =	sadd.s32 $0xFFFFFEF7, lr;
	s5 =	simm.s32 $0xFFFFFFFF;
	p2 =	slt.u32 s8, $0xFFFFF086  }
0x1c: {  	p1 =	slt.u32 s9, $0xF7A;
	s5 =	simm.s32 @!p2 $0x0  }
0x1d: {  	s5 =	simm.s32 @p1 $0x1;
	p0 =	seq.s32 s7, s2  }
0x1e: {  	s7 =	smul.u32 @!p0 $0xF7A, s2;
	p2 =	seq.s32 @!p0 s5, $0x0  }
0x1f: {  	s9 =	smul.u32 $0xF7A, s1;
	s8 =	simm.s32 @!p0 $0x1BF5;
	p2 =	por !p2, p0  }
0x20: {  	[sflag:s8] =	ssyncset.s32 @!p0 $0xFFFFF086;
	s6 =	sadd.s32 @!p0 s3, s7;
	s7 =	simm.s32 @!p0 $0x108  }
0x21: {  	s3 =	sadd.s32 s3, s9;
	s6 =	sadd.s32 @!p0 $0x88, s6;
	s7 =	simm.s32 @p2 $0x1082  }
0x22: {  	[simem:s7], [sflag:s8] =	dma.local @!p0 [hbm:s6], $0xF7A  }
0x23: {  	s9 =	sor.u32 $0xD0000000, s2;
	s6 =	simm.s32 $0x108;
	_ =	swait.ge @!p0 [sflag:s8], $0x0  }
0x24: {  	s3 =	sadd.s32 $0x88, s3;
	s6 =	simm.s32 @!p1 $0x1082;
	[sflag:s4] =	ssyncset.s32 $0xFFFFF086  }
0x25: {  	[simem:s6], [sflag:s4] =	dma.local [hbm:s3], $0xF7A  }
0x26: {  	[smem:$0x3F9D] =	sst s1;
	(tag) =	ssettag s2;
	_ =	strace s9  }
0x27: {  	s1 =	sld [smem:$0x3FAD]  }
0x28: {  	s2 =	sld [smem:$0x3FAE]  }
0x29: {  	s4 =	sld [smem:$0x3FB0]  }
0x2a: {  	p0 =	seq.s32 s5, $0x0;
	s5 =	sld [smem:$0x3FB1]  }
0x2b: {  	s6 =	sld [smem:$0x3FB2]  }
0x2c: {  	s7 =	sld [smem:$0x3FB3]  }
0x2d: {  	s3 =	simm.s32 $0x108;
	s8 =	sld [smem:$0x3FB4]  }
0x2e: {  	s3 =	simm.s32 @!p0 $0x1082;
	s9 =	sld [smem:$0x3FB5]  }
0x2f: {  	lr =	sadd.s32 s0, s3;
	s0 =	sld [smem:$0x3FAC]  }
0x30: {  	s3 =	sld [smem:$0x3FAF]  }
0x31: {  	[smem:$0x3FB8] =	sst s10  }
0x32: {  	s10 =	sld [smem:$0x3FB6];
	_ =	sdelay $0x3  }
0x33: {  	p0 =	seq.s32 s10, $0x1;
	s10 =	sld [smem:$0x3FB8];
	_ =	sdelay $0x3  }
0x34: {  	[smem:$0x3FB8] =	sst s10  }
0x35: {  	s10 =	sld [smem:$0x3FB7];
	_ =	sdelay $0x3  }
0x36: {  	p1 =	seq.s32 s10, $0x1;
	s10 =	sld [smem:$0x3FB8];
	_ =	sdelay $0x3  }
0x37: {  	[smem:$0x3FB8] =	sst s10  }
0x38: {  	s10 =	sld [smem:$0x3FB9]  }
0x39: {  	_ = 	snop;
	(pc) =	sbr.ind lr, $3  }
0x3a: {  	_ = 	snop  }
0x3b: {  	_ = 	snop  }
0x3c: {  	p2 =	seq.s32 s10, $0x1;
	s10 =	sld [smem:$0x3FB8]  }
0x3d: {  	_ =	shalt  }
0x3e: {  	_ =	shalt  }
0x3f: {  	_ =	shalt  }
0x40: {  	_ =	shalt  }
0x41: {  	_ =	shalt  }
0x42: {  	_ =	shalt  }
0x43: {  	_ =	shalt  }
0x44: {  	_ =	shalt  }
0x45: {  	_ =	shalt  }
0x46: {  	_ =	shalt  }
0x47: {  	_ =	shalt  }
0x48: {  	_ =	shalt  }
0x49: {  	_ =	shalt  }
0x4a: {  	_ =	shalt  }
0x4b: {  	_ =	shalt  }
0x4c: {  	_ =	shalt  }
0x4d: {  	_ =	shalt  }
0x4e: {  	_ =	shalt  }
0x4f: {  	_ =	shalt  }
0x50: {  	_ =	shalt  }
0x51: {  	_ =	shalt  }
0x52: {  	_ =	shalt  }
0x53: {  	_ =	shalt  }
0x54: {  	_ =	shalt  }
0x55: {  	_ =	shalt  }
0x56: {  	_ =	shalt  }
0x57: {  	_ =	shalt  }
0x58: {  	_ =	shalt  }
0x59: {  	_ =	shalt  }
0x5a: {  	_ =	shalt  }
0x5b: {  	_ =	shalt  }
0x5c: {  	_ =	shalt  }
0x5d: {  	_ =	shalt  }
0x5e: {  	_ =	shalt  }
0x5f: {  	_ =	shalt  }
0x60: {  	_ =	shalt  }
0x61: {  	_ =	shalt  }
0x62: {  	_ =	shalt  }
0x63: {  	_ =	shalt  }
0x64: {  	_ =	shalt  }
0x65: {  	_ =	shalt  }
0x66: {  	_ =	shalt  }
0x67: {  	_ =	shalt  }
0x68: {  	_ =	shalt  }
0x69: {  	_ =	shalt  }
0x6a: {  	_ =	shalt  }
0x6b: {  	_ =	shalt  }
0x6c: {  	_ =	shalt  }
0x6d: {  	_ =	shalt  }
0x6e: {  	_ =	shalt  }
0x6f: {  	_ =	shalt  }
0x70: {  	_ =	shalt  }
0x71: {  	_ =	shalt  }
0x72: {  	_ =	shalt  }
0x73: {  	_ =	shalt  }
0x74: {  	_ =	shalt  }
0x75: {  	_ =	shalt  }
0x76: {  	_ =	shalt  }
0x77: {  	_ =	shalt  }
0x78: {  	_ =	shalt  }
0x79: {  	_ =	shalt  }
0x7a: {  	_ =	shalt  }
0x7b: {  	_ =	shalt  }
0x7c: {  	_ =	shalt  }
0x7d: {  	_ =	shalt  }
0x7e: {  	_ =	shalt  }
0x7f: {  	_ =	shalt  }
0x80: {  	_ =	shalt  }
0x81: {  	_ =	shalt  }
0x82: {  	_ =	shalt  }
0x83: {  	_ =	shalt  }
0x84: {  	_ =	shalt  }
0x85: {  	_ =	shalt  }
0x86: {  	_ =	shalt  }
0x87: {  	_ =	shalt  }
.Lfunc_end0:
.L_simem_size_0:
called_computation_lowered:
.L_overlay_start_0:
0x88: {  	s2 =	sld [smem:$0x3FD9]  }
0x89: {  	s3 =	sld [smem:$0x3FFE];
	_ =	sdelay $0x1  }
0x8a: {  	s1 =	srdreg.scid  }
0x8b: {  	s0 =	sand.u32 $0x1, s1  }
0x8c: {  	s18 =	sshll.u32 s0, $0xA;
	s2 =	sadd.s32 s3, s2  }
0x8d: {  	s2 =	sadd.s32 s2, s18  }
0x8e: {  	[smem:$0x3FC4] =	sst s2  }
0x8f: {  	_ = 	snop  }
0x90: {  	s2 =	sld [smem:$0x3FC9]  }
0x91: {  	s19 =	sld [smem:$0x3FC8]  }
0x92: {  	s4 =	sld [smem:$0x3FC7]  }
0x93: {  	s5 =	sld [smem:$0x3FC6]  }
0x94: {  	s6 =	sld [smem:$0x3FD0];
	(tm) =	ssettm $0x1  }
0x95: {  	s7 =	sld [smem:$0x3FFB];
	_ =	sdelay $0x3  }
0x96: {  	_ =	strace s7  }
0x97: {  	s7 =	sld [smem:$0x3FFC];
	_ =	sdelay $0x3  }
0x98: {  	_ =	strace s7  }
0x99: {  	s7 =	sld [smem:$0x3FFD];
	_ =	sdelay $0x3  }
0x9a: {  	_ =	strace s7  }
0x9b: {  	_ =	strace $0x8FFFFFFF  }
0x9c: {  	s20 =	sld [smem:$0x3FDB];
	_ =	sdelay $0x1  }
0x9d: {  	s8 =	simm.s32 $_scs_section_size  }
0x9e: {  	s9 =	simm.s32 $_size__tile_overlayer_lowered;
	s10 =	simm.s32 $_tile_overlayer_lowered  }
0x9f: {  	s23 =	simm.s32 $0x1BFF;
	s22 =	sshll.u32 s10, $0x1;
	s7 =	sadd.s32 s8, s20  }
0xa0: {  	s11 =	simm.s32 $0x0;
	s21 =	sshll.u32 s9, $0x1;
	s9 =	sadd.s32 s22, s7  }
0xa1: {  	[timem:s11], [sflag:s23] =	dma.local [hbm:s9], s21  }
0xa2: {  	_ =	swait.ge [sflag:s23], s21  }
0xa3: {  	s8 =	ssub.s32 $0x0, s21;
	[sflag:s23] =	ssyncset.done $0x0  }
0xa4: {  	[sflag:s23] =	ssyncadd.s32 s8;
	_ =	sdelay $0x1  }
0xa5: {  	s24 =	simm.s32 $0x1B8B  }
0xa6: {  	_ =	swait.ge [sflag:s24], $0x1  }
0xa7: {  	[sflag:s24] =	ssyncset.done $0x0  }
0xa8: {  	s25 =	simm.s32 $0x1B8E;
	[sflag:s24] =	ssyncadd.s32 $0xFFFFFFFF  }
0xa9: {  	s26 =	simm.s32 $execute0_lowered;
	[smem:$0x3FD2] =	sst s25  }
0xaa: {  	s8 =	sshll.u32 s26, $0x1;
	_ =	strace $0x80000046;
	[dreg:$0x1] =	wrdreg $0xFFFFFFFF  }
0xab: {  	s28 =	simm.s32 $_size_execute0_lowered;
	s7 =	sadd.s32 s7, s8;
	[dreg:$0x0] =	wrdreg $0x0  }
0xac: {  	s8 =	sshll.u32 s28, $0x1;
	[dreg:$0x2] =	wrdreg s7  }
0xad: {  	[dreg:$0x3] =	wrdreg s8  }
0xae: {  	[dreg:$0x4] =	wrdreg $0xC0  }
0xaf: {  	_ =	task [dreg:s11], $0x5FFFF  }
0xb0: {  	[dreg:$0x1] =	wrdreg $0xFFFFFFFF  }
0xb1: {  	[dreg:$0x0] =	wrdreg $0x60  }
0xb2: {  	[dreg:$0x2] =	wrdreg s2  }
0xb3: {  	[dreg:$0x3] =	wrdreg s19  }
0xb4: {  	[dreg:$0x4] =	wrdreg s4  }
0xb5: {  	[dreg:$0x5] =	wrdreg s5  }
0xb6: {  	[dreg:$0x6] =	wrdreg s6  }
0xb7: {  	[dreg:$0x7] =	wrdreg $0x9  }
0xb8: {  	_ =	task.clear_ibuf [dreg:s11], $0x8FFFF;
	_ =	strace $0x90000046  }
0xb9: {  	s29 =	simm.s32 $0x9;
	_ =	strace $0x80000048  }
0xba: {  	_ =	swait.ge [sflag:s29], $0x1  }
0xbb: {  	[sflag:s29] =	ssyncadd.s32 $0xFFFFFFFF  }
0xbc: {  	_ =	strace $0x90000048  }
0xbd: {  	_ =	sfence  }
0xbe: {  	s30 =	sld [smem:$0x0];
	_ =	sdelay $0x2  }
0xbf: {  	s31 =	sshll.u32 s1, $0xD;
	s1 =	sshrl.u32 s1, $0x2  }
0xc0: {  	s3 =	sand.u32 $0x4000, s31;
	s1 =	sadd.s32 s1, s30  }
0xc1: {  	s0 =	sor.u32 s3, s0;
	s1 =	sshll.u32 s1, $0x11  }
0xc2: {  	s0 =	sor.u32 s1, s0  }
0xc3: {  	s0 =	sadd.s32 $0x8F2B, s0  }
0xc4: {  	[sflag:s0] =	ssyncadd.remote.s32 $0x1  }
0xc5: {  	_ =	sfence.sel $0xFFFF  }
0xc6: {  	[dreg:$0x0] =	wrdreg $0xFFFFFFFF;
	(pc) =	sbr.abs _section_cstart, $3  }
0xc7: {  	[dreg:$0x1] =	wrdreg $0xFFFFFFFF  }
0xc8: {  	_ =	task.clear_ibuf [dreg:s11], $0x2FFFF;
	_ =	strace $0x9FFFFFFF  }
0xc9: {  	(tm) =	ssettm $0x7FFFFFFF  }
tec
execute0_lowered:
.L_overlay_start_1:
0x0: {  	(tag) =	ssettag $0x1  }
0x1: {  	s8 =	rddreg [dreg:$0x0]  }
0x2: {  	s7 =	rddreg [dreg:$0x1]  }
0x3: {  	s9 =	rddreg [dreg:$0x3];
	s2 =	srdreg.scid  }
0x4: {  	s0 =	stileid.u32;
	s10 =	rddreg [dreg:$0x4];
	s3 =	simm.s32 $0x0  }
0x5: {  	s15 =	simm.s32 $0x80;
	s16 =	simm.s32 $0x400;
	s17 =	simm.s32 $0x6A00  }
0x6: {  	s18 =	simm.s32 $0x5;
	s19 =	simm.s32 $0x0;
	s4 =	sand.u32 $0x1, s2  }
0x7: {  	s5 =	sshll.u32 s0, $0x1;
	[smem:$0x7FF] =	sst s3;
	s12 =	sshll.u32 s0, $0x8  }
0x8: {  	s13 =	sor.u32 s4, s5;
	s4 =	ssub.s32 $0x2, s4;
	_ =	strace $0x80000047  }
0x9: {  	s12 =	sand.u32 $0xC00, s12;
	s6 =	smul.u32 $0x188, s13;
	s31 =	sshrl.u32 s4, $0x1  }
0xa: {  	s14 =	sshll.u32 s13, $0x4;
	s10 =	sadd.s32 s10, s12;
	p0 =	sne.s32 s13, $0x1F  }
.Ltmp0:
0xb: {  	s12 =	simm.s32 $0x2580;
	p1 =	seq.s32 s13, $0x1F;
	(pc) =	sbr.rel .LBB2_1-.Ltmp0, $4  }
0xc: {  	s13 =	simm.s32 $0x4;
	s11 =	ssub.s32 s4, s31;
	s14 =	sand.u32 $0x70, s14  }
0xd: {  	s4 =	sadd.s32 s7, s6;
	s5 =	sadd.s32 s8, s6;
	s6 =	sadd.s32 s9, s6  }
0xe: {  	v1 =	vlaneseq.u32;
	s7 =	sadd.s32 $0x2F78, s7;
	s8 =	sadd.s32 $0x2F78, s8;
	s9 =	sadd.s32 $0x2F78, s9  }
0xf: {  	v0 =	vimm.f32 $0.0e+00;
	v1 =	vmul.u32 $0x401, v1;
	s10 =	sadd.s32 s14, s10;
	s11 =	smax.u32 s11, $0x1;
	s14 =	simm.s32 $0x2980  }
.LBB2_9:
0x10: {  	s20 =	smov.u32 s22  }
.LBB2_13:
0x11: {  	v4 =	vld [tilespmem:s21+$0xFFFFE7FA];
	_ =	sdelay $0x1  }
0x12: {  	v5 =	vld [tilespmem:s21+$0xFFFFEBFB]  }
0x13: {  	v2 =	vadd.f32 v2, v3  }
0x14: {  	v3 =	vld [tilespmem:s21+$0xFFFFEFFC]  }
0x15: {  	v2 =	vadd.f32 v4, v2  }
0x16: {  	v56 =	vld [tilespmem:s21+$0xFFFFF3FD]  }
0x17: {  	v2 =	vadd.f32 v5, v2  }
0x18: {  	v57 =	vld [tilespmem:s21+$0xFFFFF7FE]  }
0x19: {  	v2 =	vadd.f32 v3, v2  }
0x1a: {  	v3 =	vld [tilespmem:s21+$0xFFFFFBFF]  }
0x1b: {  	v2 =	vadd.f32 v56, v2  }
0x1c: {  	v58 =	vld [tilespmem:s21+$0x0]  }
0x1d: {  	v2 =	vadd.f32 v57, v2  }
0x1e: {  	v59 =	vld [tilespmem:s21+$0x401]  }
0x1f: {  	v2 =	vadd.f32 v3, v2  }
0x20: {  	v3 =	vld [tilespmem:s21+$0x802]  }
0x21: {  	v2 =	vadd.f32 v58, v2  }
0x22: {  	v60 =	vld [tilespmem:s21+$0xC03]  }
0x23: {  	v2 =	vadd.f32 v59, v2  }
0x24: {  	v61 =	vld [tilespmem:s21+$0x1004]  }
0x25: {  	v2 =	vadd.f32 v3, v2  }
0x26: {  	v3 =	vld [tilespmem:s21+$0x1405]  }
0x27: {  	v2 =	vadd.f32 v60, v2  }
0x28: {  	v62 =	vld [tilespmem:s21+$0x1806]  }
0x29: {  	v2 =	vadd.f32 v61, v2  }
0x2a: {  	v63 =	vld [tilespmem:s21+$0x1C07]  }
0x2b: {  	v2 =	vadd.f32 v3, v2;
	_ =	sdelay $0x1  }
0x2c: {  	v2 =	vadd.f32 v62, v2;
	_ =	sdelay $0x1  }
0x2d: {  	s0 =	sadd.s32 @p3 $0x10, s20;
	v2 =	vadd.f32 v63, v2  }
0x2e: {  	s22 =	smov.u32 @p3 s0  }
0x2f: {  	[tilespmem:s22+$0x0] =	vst v2  }
.LBB2_14:
0x30: {  	s19 =	sadd.s32 $0x1, s19  }
0x31: {  	p2 =	sne.s32 s19, s11  }
.Ltmp1:
0x32: {  	_ = 	snop;
	(pc) =	sbr.rel @!p2 .LBB2_15-.Ltmp1, $4  }
0x33: {  	[hbm4b:s10+s15] =	stream.strided.scatter [tilespmem:s17], [sflag:$0x5], $0x400, s16, s15, $0x38;
	[tilespmem:$0x6E00] =	vst v63  }
0x34: {  	_ =	swait.ge [sflag:s18], $0x400  }
0x35: {  	[sflag:s18] =	ssyncset.done $0x0  }
0x36: {  	[sflag:s18] =	ssyncadd.s32 $0xFFFFFC00  }
.LBB2_1:
0x37: {  	s0 =	rddreg [dreg:$0x2]  }
0x38: {  	[tilespmem:s12], [sflag:$0x4] =	stream.linear.gather [hbm4b:s0+s3], $0x400, $0x38;
	[tilespmem:$0x6E00] =	vst v63  }
0x39: {  	s20 =	simm.s32 @p0 $0x0;
	s21 =	simm.s32 @p0 $0x1900  }
0x3a: {  	[tilespmem:s21], [sflag:$0x1] =	stream.linear.gather @p0 [hbm4b:s4+s20], $0xC40, $0x38;
	[tilespmem:$0x6E00] =	vst v63  }
0x3b: {  	_ = 	snop  }
0x3c: {  	[tilespmem:s20], [sflag:$0x2] =	stream.linear.gather @p0 [hbm4b:s5+s20], $0xC40, $0x38;
	[tilespmem:$0x6E00] =	vst v63  }
0x3d: {  	s21 =	simm.s32 @p0 $0xC80  }
0x3e: {  	[tilespmem:s21], [sflag:$0x3] =	stream.linear.gather @p0 [hbm4b:s6+s20], $0xC40, $0x38;
	[tilespmem:$0x6E00] =	vst v63  }
0x3f: {  	s20 =	simm.s32 @!p0 $0x0;
	s21 =	simm.s32 @!p0 $0x1900  }
0x40: {  	[tilespmem:s21], [sflag:$0x1] =	stream.linear.gather @!p0 [hbm4b:s7+s20], $0xAE0, $0x38;
	[tilespmem:$0x6E00] =	vst v63  }
0x41: {  	_ = 	snop  }
0x42: {  	[tilespmem:s20], [sflag:$0x2] =	stream.linear.gather @!p0 [hbm4b:s8+s20], $0xAE0, $0x38;
	[tilespmem:$0x6E00] =	vst v63  }
0x43: {  	s21 =	simm.s32 @!p0 $0xC80  }
0x44: {  	[tilespmem:s21], [sflag:$0x3] =	stream.linear.gather @!p0 [hbm4b:s9+s20], $0xAE0, $0x38;
	[tilespmem:$0x6E00] =	vst v63  }
0x45: {  	[tilespmem:$0x6A00] =	vst v0  }
0x46: {  	[tilespmem:$0x6A10] =	vst v0  }
0x47: {  	[tilespmem:$0x6A20] =	vst v0  }
0x48: {  	[tilespmem:$0x6A30] =	vst v0  }
0x49: {  	[tilespmem:$0x6A40] =	vst v0  }
0x4a: {  	[tilespmem:$0x6A50] =	vst v0  }
0x4b: {  	[tilespmem:$0x6A60] =	vst v0  }
0x4c: {  	[tilespmem:$0x6A70] =	vst v0  }
0x4d: {  	[tilespmem:$0x6A80] =	vst v0  }
0x4e: {  	[tilespmem:$0x6A90] =	vst v0  }
0x4f: {  	[tilespmem:$0x6AA0] =	vst v0  }
0x50: {  	[tilespmem:$0x6AB0] =	vst v0  }
0x51: {  	[tilespmem:$0x6AC0] =	vst v0  }
0x52: {  	[tilespmem:$0x6AD0] =	vst v0  }
0x53: {  	[tilespmem:$0x6AE0] =	vst v0  }
0x54: {  	[tilespmem:$0x6AF0] =	vst v0  }
0x55: {  	[tilespmem:$0x6B00] =	vst v0  }
0x56: {  	[tilespmem:$0x6B10] =	vst v0  }
0x57: {  	[tilespmem:$0x6B20] =	vst v0  }
0x58: {  	[tilespmem:$0x6B30] =	vst v0  }
0x59: {  	[tilespmem:$0x6B40] =	vst v0  }
0x5a: {  	[tilespmem:$0x6B50] =	vst v0  }
0x5b: {  	[tilespmem:$0x6B60] =	vst v0  }
0x5c: {  	[tilespmem:$0x6B70] =	vst v0  }
0x5d: {  	[tilespmem:$0x6B80] =	vst v0  }
0x5e: {  	[tilespmem:$0x6B90] =	vst v0  }
0x5f: {  	[tilespmem:$0x6BA0] =	vst v0  }
0x60: {  	[tilespmem:$0x6BB0] =	vst v0  }
0x61: {  	[tilespmem:$0x6BC0] =	vst v0  }
0x62: {  	[tilespmem:$0x6BD0] =	vst v0  }
0x63: {  	[tilespmem:$0x6BE0] =	vst v0  }
0x64: {  	[tilespmem:$0x6BF0] =	vst v0  }
0x65: {  	[tilespmem:$0x6C00] =	vst v0  }
0x66: {  	[tilespmem:$0x6C10] =	vst v0  }
0x67: {  	[tilespmem:$0x6C20] =	vst v0  }
0x68: {  	[tilespmem:$0x6C30] =	vst v0  }
0x69: {  	[tilespmem:$0x6C40] =	vst v0  }
0x6a: {  	[tilespmem:$0x6C50] =	vst v0  }
0x6b: {  	[tilespmem:$0x6C60] =	vst v0  }
0x6c: {  	[tilespmem:$0x6C70] =	vst v0  }
0x6d: {  	[tilespmem:$0x6C80] =	vst v0  }
0x6e: {  	[tilespmem:$0x6C90] =	vst v0  }
0x6f: {  	[tilespmem:$0x6CA0] =	vst v0  }
0x70: {  	[tilespmem:$0x6CB0] =	vst v0  }
0x71: {  	[tilespmem:$0x6CC0] =	vst v0  }
0x72: {  	[tilespmem:$0x6CD0] =	vst v0  }
0x73: {  	[tilespmem:$0x6CE0] =	vst v0  }
0x74: {  	[tilespmem:$0x6CF0] =	vst v0  }
0x75: {  	[tilespmem:$0x6D00] =	vst v0  }
0x76: {  	[tilespmem:$0x6D10] =	vst v0  }
0x77: {  	[tilespmem:$0x6D20] =	vst v0  }
0x78: {  	[tilespmem:$0x6D30] =	vst v0  }
0x79: {  	[tilespmem:$0x6D40] =	vst v0  }
0x7a: {  	[tilespmem:$0x6D50] =	vst v0  }
0x7b: {  	[tilespmem:$0x6D60] =	vst v0  }
0x7c: {  	[tilespmem:$0x6D70] =	vst v0  }
0x7d: {  	[tilespmem:$0x6D80] =	vst v0  }
0x7e: {  	[tilespmem:$0x6D90] =	vst v0  }
0x7f: {  	[tilespmem:$0x6DA0] =	vst v0  }
0x80: {  	[tilespmem:$0x6DB0] =	vst v0  }
0x81: {  	[tilespmem:$0x6DC0] =	vst v0  }
0x82: {  	[tilespmem:$0x6DD0] =	vst v0  }
0x83: {  	[tilespmem:$0x6DE0] =	vst v0  }
0x84: {  	s20 =	simm.s32 @p0 $0x1;
	[tilespmem:$0x6DF0] =	vst v0  }
0x85: {  	_ =	swait.ge @p0 [sflag:s20], $0xC40  }
0x86: {  	[sflag:s20] =	ssyncset.done @p0 $0x0  }
0x87: {  	[sflag:s20] =	ssyncadd.s32 @p0 $0xFFFFF3C0;
	s20 =	simm.s32 @!p0 $0x1  }
0x88: {  	_ =	swait.ge @!p0 [sflag:s20], $0xAE0  }
0x89: {  	[sflag:s20] =	ssyncset.done @!p0 $0x0  }
0x8a: {  	[sflag:s20] =	ssyncadd.s32 @!p0 $0xFFFFF520;
	s20 =	simm.s32 @!p0 $0x2  }
0x8b: {  	_ =	swait.ge @!p0 [sflag:s20], $0xAE0  }
0x8c: {  	[sflag:s20] =	ssyncset.done @!p0 $0x0  }
0x8d: {  	[sflag:s20] =	ssyncadd.s32 @!p0 $0xFFFFF520;
	s20 =	simm.s32 @!p0 $0x3  }
0x8e: {  	_ =	swait.ge @!p0 [sflag:s20], $0xAE0  }
0x8f: {  	[sflag:s20] =	ssyncset.done @!p0 $0x0  }
0x90: {  	v2 =	vimm.s32 @!p0 $0x0;
	[sflag:s20] =	ssyncadd.s32 @!p0 $0xFFFFF520  }
0x91: {  	[tilespmem:$0x23E0] =	vst @!p0 v2;
	v2 =	vimm.f32 @!p0 $0.0e+00  }
0x92: {  	s20 =	simm.s32 @!p0 $0xAD0;
	v3 =	vld [tilespmem:$0x1900];
	[tilespmem:$0xAE0] =	vst @!p0 v2  }
0x93: {  	s20 =	simm.s32 @p0 $0xC30;
	[tilespmem:$0x1760] =	vst @!p0 v2  }
0x94: {  	v2 =	vld [tilespmem:s20+$0x1900];
	_ =	sdelay $0x2  }
0x95: {  	(v2sf) =	vpush v3, $0x0;
	_ =	sdelay $0x1  }
0x96: {  	(v2sf) =	vpush v2, $0xF;
	_ =	sdelay $0xc  }
0x97: {  	s25 =	spop (v2sf)  }
0x98: {  	s26 =	sshra.s32 s25, $0x1F;
	s23 =	sand.u32 $0xF, s25  }
0x99: {  	p2 =	slt.s32 s25, $0x1;
	s21 =	sshrl.u32 s26, $0x1C;
	s22 =	spop (v2sf)  }
0x9a: {  	p3 =	sne.s32 s23, $0x0;
	s23 =	simm.s32 $0x1;
	s21 =	sadd.s32 s21, s25  }
0x9b: {  	s28 =	sand.u32 $0xF, s22;
	p2 =	por !p2, !p3;
	p6 =	slt.s32 s22, $0x1  }
0x9c: {  	s30 =	sshra.s32 s22, $0x1F;
	p4 =	sne.s32 s28, $0x0;
	s29 =	sshra.s32 s21, $0x4  }
0x9d: {  	p2 =	por !p2, !p2;
	s21 =	sshrl.u32 s30, $0x1C;
	p3 =	por !p6, !p4  }
0x9e: {  	s21 =	sadd.s32 s21, s22;
	s22 =	simm.s32 $0x1;
	p3 =	por !p3, !p3  }
0x9f: {  	s23 =	simm.s32 @!p2 $0x0;
	s21 =	sshra.s32 s21, $0x4;
	s22 =	simm.s32 @!p3 $0x0  }
0xa0: {  	s20 =	ssub.s32 s29, s23;
	s21 =	ssub.s32 s21, s22  }
0xa1: {  	s21 =	ssub.s32 s21, s20  }
0xa2: {  	s31 =	sadd.s32 $0x1, s21  }
0xa3: {  	p3 =	slt.s32 s31, $0x1  }
.Ltmp2:
0xa4: {  	_ = 	snop;
	(pc) =	sbr.rel @p3 .LBB2_5-.Ltmp2, $3  }
0xa5: {  	_ =	sdelay $0x1  }
0xa6: {  	s20 =	sshll.u32 s20, $0x6  }
0xa7: {  	s21 =	sshra.s32 s20, $0x2;
	p2 =	sne.s32 s31, $0x1;
	s20 =	sadd.s32 $0xFFFFFFFF, s31  }
0xa8: {  	s22 =	sadd.s32 $0x4988, s21  }
0xa9: {  	[tilespmem:s22+$0xFFFFDFF8] =	vst v0  }
0xaa: {  	[tilespmem:s22+$0x1C07] =	vst v0  }
0xab: {  	[tilespmem:s22+$0x1806] =	vst v0  }
0xac: {  	[tilespmem:s22+$0x1405] =	vst v0  }
0xad: {  	[tilespmem:s22+$0x1004] =	vst v0  }
0xae: {  	[tilespmem:s22+$0xC03] =	vst v0  }
0xaf: {  	[tilespmem:s22+$0x802] =	vst v0  }
0xb0: {  	[tilespmem:s22+$0x401] =	vst v0  }
0xb1: {  	[tilespmem:s22+$0x0] =	vst v0  }
0xb2: {  	[tilespmem:s22+$0xFFFFFBFF] =	vst v0  }
.Ltmp3:
0xb3: {  	[tilespmem:s22+$0xFFFFF7FE] =	vst v0;
	(pc) =	sbr.rel @!p2 .LBB2_4-.Ltmp3, $4  }
0xb4: {  	[tilespmem:s22+$0xFFFFF3FD] =	vst v0  }
0xb5: {  	[tilespmem:s22+$0xFFFFEFFC] =	vst v0  }
0xb6: {  	[tilespmem:s22+$0xFFFFEBFB] =	vst v0  }
0xb7: {  	s23 =	smov.u32 s20;
	[tilespmem:s22+$0xFFFFE7FA] =	vst v0  }
.LBB2_3:
0xb8: {  	p4 =	sne.s32 s23, $0x1;
	s23 =	sadd.s32 $0xFFFFFFFF, s23;
	[tilespmem:s22+$0xFFFFE3F9] =	vst v0;
	s22 =	sadd.s32 $0x10, s22  }
0xb9: {  	[tilespmem:s22+$0xFFFFDFF8] =	vst v0  }
0xba: {  	[tilespmem:s22+$0x1C07] =	vst v0  }
0xbb: {  	[tilespmem:s22+$0x1806] =	vst v0  }
0xbc: {  	[tilespmem:s22+$0x1405] =	vst v0  }
0xbd: {  	[tilespmem:s22+$0x1004] =	vst v0  }
0xbe: {  	[tilespmem:s22+$0xC03] =	vst v0  }
0xbf: {  	[tilespmem:s22+$0x802] =	vst v0  }
0xc0: {  	[tilespmem:s22+$0x401] =	vst v0  }
0xc1: {  	[tilespmem:s22+$0x0] =	vst v0  }
0xc2: {  	[tilespmem:s22+$0xFFFFFBFF] =	vst v0  }
.Ltmp4:
0xc3: {  	[tilespmem:s22+$0xFFFFF7FE] =	vst v0;
	(pc) =	sbr.rel @p4 .LBB2_3-.Ltmp4, $4  }
0xc4: {  	[tilespmem:s22+$0xFFFFF3FD] =	vst v0  }
0xc5: {  	[tilespmem:s22+$0xFFFFEFFC] =	vst v0  }
0xc6: {  	[tilespmem:s22+$0xFFFFEBFB] =	vst v0  }
0xc7: {  	[tilespmem:s22+$0xFFFFE7FA] =	vst v0  }
.LBB2_4:
0xc8: {  	[tilespmem:s22+$0xFFFFE3F9] =	vst v0  }
.LBB2_5:
0xc9: {  	s22 =	simm.s32 @!p1 $0x2  }
0xca: {  	_ =	swait.ge @!p1 [sflag:s22], $0xC40  }
0xcb: {  	[sflag:s22] =	ssyncset.done @!p1 $0x0  }
0xcc: {  	[sflag:s22] =	ssyncadd.s32 @!p1 $0xFFFFF3C0;
	s22 =	simm.s32 @!p1 $0x3  }
0xcd: {  	s26 =	simm.s32 @!p1 $0x1C;
	_ =	swait.ge @!p1 [sflag:s22], $0xC40  }
0xce: {  	s26 =	simm.s32 @p1 $0x19;
	[sflag:s22] =	ssyncset.done @!p1 $0x0  }
0xcf: {  	s0 =	sshll.u32 s26, $0x6;
	[sflag:s22] =	ssyncadd.s32 @!p1 $0xFFFFF3C0  }
0xd0: {  	s22 =	sshrl.u32 s0, $0x2;
	_ =	swait.ge [sflag:s13], $0x400  }
0xd1: {  	v2 =	vmov s22;
	[sflag:s13] =	ssyncset.done $0x0  }
0xd2: {  	s23 =	simm.s32 $0x1900;
	[sflag:s13] =	ssyncadd.s32 $0xFFFFFC00  }
0xd3: {  	s25 =	simm.s32 $0xC80;
	v4 =	vld [tilespmem:s23+$0x0]  }
0xd4: {  	s24 =	simm.s32 $0x0;
	v8 =	vld [tilespmem:s25+$0x0]  }
0xd5: {  	v21 =	vld [tilespmem:s24+$0x0]  }
0xd6: {  	v10 =	vld.idx.msk [tilespmem:v2+s24+$0x0 ss:$0x1], $0xffff  }
0xd7: {  	v7 =	vld.idx.msk [tilespmem:v2+s23+$0x0 ss:$0x1], $0xffff  }
0xd8: {  	s28 =	sadd.s32 $0xC80, s22;
	v5 =	vld.idx.msk [tilespmem:v2+s25+$0x0 ss:$0x1], $0xffff  }
0xd9: {  	s29 =	sadd.s32 $0x0, s22;
	v3 =	vld.idx.msk [tilespmem:v2+s28+$0x0 ss:$0x1], $0xffff  }
0xda: {  	s30 =	sadd.s32 s22, s29;
	v11 =	vld.idx.msk [tilespmem:v2+s29+$0x0 ss:$0x1], $0xffff  }
0xdb: {  	s2 =	sadd.s32 $0x1900, s22;
	v16 =	vld.idx.msk [tilespmem:v2+s30+$0x0 ss:$0x1], $0xffff  }
0xdc: {  	s0 =	sadd.s32 s22, s2;
	v12 =	vld.idx.msk [tilespmem:v2+s2+$0x0 ss:$0x1], $0xffff  }
0xdd: {  	s1 =	sadd.s32 s22, s0;
	v14 =	vld.idx.msk [tilespmem:v2+s0+$0x0 ss:$0x1], $0xffff  }
0xde: {  	s31 =	sadd.s32 s22, s30;
	s28 =	sadd.s32 s22, s28;
	v15 =	vld.idx.msk [tilespmem:v2+s1+$0x0 ss:$0x1], $0xffff  }
0xdf: {  	s30 =	sadd.s32 s22, s31;
	s29 =	sadd.s32 s22, s28;
	v6 =	vld.idx.msk [tilespmem:v2+s28+$0x0 ss:$0x1], $0xffff  }
0xe0: {  	v13 =	vld.idx.msk [tilespmem:v2+s30+$0x0 ss:$0x1], $0xffff;
	s28 =	sadd.s32 s22, s29  }
0xe1: {  	v9 =	vld.idx.msk [tilespmem:v2+s28+$0x0 ss:$0x1], $0xffff  }
0xe2: {  	s0 =	sadd.s32 s22, s1;
	v28 =	vadd.s32 v1, v4;
	v29 =	vmul.f32 v8, v21  }
0xe3: {  	v18 =	vld.idx.msk [tilespmem:v2+s0+$0x0 ss:$0x1], $0xffff;
	vm0 =	vlt.f32 v11, $0.0e+00;
	vm1 =	vgt.f32 v11, $0.0e+00;
	v17 =	vmul.f32 v3, v11  }
0xe4: {  	s1 =	sadd.s32 s22, s0;
	vm2 =	vlt.f32 v10, $0.0e+00;
	vm3 =	vgt.f32 v10, $0.0e+00;
	v3 =	vadd.s32 v1, v15  }
0xe5: {  	v19 =	vld.idx.msk [tilespmem:v2+s1+$0x0 ss:$0x1], $0xffff;
	v27 =	vmul.f32 v5, v10;
	v30 =	vadd.s32 v1, v7;
	vm1 =	vmor vm1, vm0  }
0xe6: {  	vm0 =	vgt.f32 v16, $0.0e+00;
	vm2 =	vmor vm3, vm2;
	v22 =	vmul.f32 v9, v13;
	v9 =	vld.idx.msk [tilespmem:v4+s12+$0x0], $0xffff  }
0xe7: {  	vm3 =	vlt.f32 v16, $0.0e+00;
	v20 =	vmul.f32 v6, v16;
	vm4 =	vlt.f32 v13, $0.0e+00;
	v23 =	vld.idx.msk [tilespmem:v7+s12+$0x0], $0xffff  }
0xe8: {  	vm5 =	vgt.f32 v13, $0.0e+00;
	v6 =	vadd.s32 v1, v12;
	v5 =	vadd.s32 v1, v18;
	v25 =	vld.idx.msk [tilespmem:v12+s12+$0x0], $0xffff  }
0xe9: {  	vm3 =	vmor vm0, vm3;
	vm0 =	vmor vm5, vm4;
	v24 =	vsel vm1, $0x3F800000, v0;
	v12 =	vld.idx.msk [tilespmem:v14+s12+$0x0], $0xffff  }
0xea: {  	v26 =	vsel vm2, $0x3F800000, v0;
	vm1 =	vgt.f32 v21, $0.0e+00;
	vm5 =	vlt.f32 v21, $0.0e+00;
	v15 =	vld.idx.msk [tilespmem:v15+s12+$0x0], $0xffff  }
0xeb: {  	v4 =	vadd.s32 v1, v19;
	v7 =	vadd.s32 v1, v14;
	vm1 =	vmor vm1, vm5;
	v14 =	vld.idx.msk [tilespmem:v18+s12+$0x0], $0xffff  }
0xec: {  	v63 =	vsel vm1, $0x3F800000, v0;
	vm2 =	veq.s32 v9, $0x0;
	vm4 =	veq.s32 v9, $0x1  }
0xed: {  	v8 =	vld.idx.msk [tilespmem:v19+s12+$0x0], $0xffff;
	vm6 =	veq.s32 v23, $0x0;
	v18 =	vsel vm4, v21, v29;
	vm4 =	veq.s32 v23, $0x1  }
0xee: {  	p4 =	seq.s32 s26, $0x1;
	v9 =	vld.idx.msk [tilespmem:v2+s31+$0x0 ss:$0x1], $0xffff;
	vm8 =	veq.s32 v25, $0x0;
	v10 =	vsel vm4, v10, v27;
	vm4 =	veq.s32 v25, $0x1  }
.Ltmp5:
0xef: {  	s30 =	sadd.s32 s22, s30;
	vm9 =	veq.s32 v12, $0x1;
	vm1 =	veq.s32 v15, $0x1;
	v17 =	vsel vm4, v11, v17;
	v11 =	vld.idx.msk [tilespmem:v2+s29+$0x0 ss:$0x1], $0xffff;
	(pc) =	sbr.rel @p4 .LBB2_7-.Ltmp5, $4  }
0xf0: {  	s31 =	sadd.s32 s22, s28;
	vm5 =	veq.s32 v14, $0x0;
	v16 =	vsel vm9, v16, v20;
	v19 =	vsel vm6, v26, v10;
	v10 =	vld.idx.msk [tilespmem:v2+s30+$0x0 ss:$0x1], $0xffff  }
0xf1: {  	v18 =	vsel vm2, v63, v18;
	vm6 =	veq.s32 v12, $0x0;
	vm4 =	veq.s32 v14, $0x1;
	v12 =	vld.idx.msk [tilespmem:v2+s31+$0x0 ss:$0x1], $0xffff  }
0xf2: {  	vm2 =	veq.s32 v15, $0x0;
	v15 =	vsel vm3, $0x3F800000, v0;
	[tilespmem:v28+s14+$0x0] =	vst.idx.add.f32.msk $0xffff, v18;
	v13 =	vsel vm4, v13, v22  }
0xf3: {  	s26 =	sadd.s32 $0xFFFFFFFF, s26;
	vm4 =	veq.s32 v8, $0x1;
	v14 =	vsel vm8, v24, v17;
	[tilespmem:v30+s14+$0x0] =	vst.idx.add.f32.msk $0xffff, v19;
	vm7 =	vgt.f32 v9, $0.0e+00  }
.LBB2_6:
0xf4: {  	v15 =	vsel vm6, v15, v16;
	vm3 =	vlt.f32 v9, $0.0e+00;
	v11 =	vmul.f32 v11, v9;
	s23 =	sadd.s32 $0x10, s23;
	s24 =	sadd.s32 $0x10, s24;
	s25 =	sadd.s32 $0x10, s25  }
0xf5: {  	p4 =	seq.s32 s26, $0x1;
	s26 =	sadd.s32 $0xFFFFFFFF, s26;
	v16 =	vsel vm0, $0x3F800000, v0;
	vm0 =	vlt.f32 v10, $0.0e+00;
	vm6 =	veq.s32 v8, $0x0  }
0xf6: {  	vm3 =	vmor vm7, vm3;
	v8 =	vsel vm5, v16, v13;
	v12 =	vmul.f32 v12, v10;
	[tilespmem:v6+s14+$0x0] =	vst.idx.add.f32.msk $0xffff, v14  }
0xf7: {  	v6 =	vsel vm3, $0x3F800000, v0;
	v9 =	vsel vm1, v9, v11;
	vm1 =	vgt.f32 v10, $0.0e+00;
	[tilespmem:v7+s14+$0x0] =	vst.idx.add.f32.msk $0xffff, v15  }
0xf8: {  	v6 =	vsel vm2, v6, v9;
	vm0 =	vmor vm1, vm0;
	v7 =	vsel vm4, v10, v12  }
0xf9: {  	v9 =	vsel vm0, $0x3F800000, v0;
	[tilespmem:v3+s14+$0x0] =	vst.idx.add.f32.msk $0xffff, v6  }
0xfa: {  	v3 =	vsel vm6, v9, v7;
	[tilespmem:v5+s14+$0x0] =	vst.idx.add.f32.msk $0xffff, v8  }
0xfb: {  	[tilespmem:v4+s14+$0x0] =	vst.idx.add.f32.msk $0xffff, v3  }
0xfc: {  	v10 =	vld.idx.msk [tilespmem:v2+s24+$0x0 ss:$0x1], $0xffff  }
0xfd: {  	v4 =	vld [tilespmem:s23+$0x0]  }
0xfe: {  	v7 =	vld.idx.msk [tilespmem:v2+s23+$0x0 ss:$0x1], $0xffff  }
0xff: {  	s0 =	sadd.s32 s22, s25;
	v5 =	vld.idx.msk [tilespmem:v2+s25+$0x0 ss:$0x1], $0xffff  }
0x100: {  	s2 =	sadd.s32 s22, s24;
	s28 =	sadd.s32 s22, s0;
	v3 =	vld.idx.msk [tilespmem:v2+s0+$0x0 ss:$0x1], $0xffff  }
0x101: {  	s29 =	sadd.s32 s22, s28;
	s0 =	sadd.s32 s22, s2;
	v8 =	vld [tilespmem:s25+$0x0]  }
0x102: {  	s31 =	sadd.s32 s22, s0;
	v12 =	vld.idx.msk [tilespmem:v2+s2+$0x0 ss:$0x1], $0xffff;
	s2 =	sadd.s32 s22, s29  }
0x103: {  	s1 =	sadd.s32 s22, s31;
	v6 =	vld.idx.msk [tilespmem:v2+s28+$0x0 ss:$0x1], $0xffff;
	s28 =	sadd.s32 s22, s2  }
0x104: {  	s30 =	sadd.s32 s22, s1;
	v16 =	vld.idx.msk [tilespmem:v2+s0+$0x0 ss:$0x1], $0xffff  }
0x105: {  	v9 =	vld.idx.msk [tilespmem:v2+s2+$0x0 ss:$0x1], $0xffff  }
0x106: {  	s0 =	sadd.s32 s22, s23;
	v13 =	vld.idx.msk [tilespmem:v2+s1+$0x0 ss:$0x1], $0xffff  }
0x107: {  	s1 =	sadd.s32 s22, s0;
	v11 =	vld.idx.msk [tilespmem:v2+s0+$0x0 ss:$0x1], $0xffff  }
0x108: {  	s0 =	sadd.s32 s22, s1;
	vm0 =	vlt.f32 v12, $0.0e+00;
	vm1 =	vgt.f32 v12, $0.0e+00;
	v15 =	vmul.f32 v3, v12;
	v14 =	vld.idx.msk [tilespmem:v2+s1+$0x0 ss:$0x1], $0xffff  }
0x109: {  	s1 =	sadd.s32 s22, s0;
	vm1 =	vmor vm1, vm0;
	v17 =	vld.idx.msk [tilespmem:v2+s0+$0x0 ss:$0x1], $0xffff  }
0x10a: {  	vm2 =	vgt.f32 v10, $0.0e+00;
	vm0 =	vlt.f32 v10, $0.0e+00;
	s0 =	sadd.s32 s22, s1;
	vm3 =	vgt.f32 v16, $0.0e+00;
	v18 =	vld.idx.msk [tilespmem:v2+s1+$0x0 ss:$0x1], $0xffff  }
0x10b: {  	vm2 =	vmor vm2, vm0;
	vm0 =	vlt.f32 v16, $0.0e+00;
	v20 =	vmul.f32 v6, v16;
	v19 =	vld.idx.msk [tilespmem:v2+s0+$0x0 ss:$0x1], $0xffff  }
0x10c: {  	vm4 =	vlt.f32 v13, $0.0e+00;
	vm5 =	vgt.f32 v13, $0.0e+00;
	v22 =	vmul.f32 v9, v13;
	v21 =	vld [tilespmem:s24+$0x0]  }
0x10d: {  	vm3 =	vmor vm3, vm0;
	vm0 =	vmor vm5, vm4;
	v9 =	vld.idx.msk [tilespmem:v4+s12+$0x0], $0xffff  }
0x10e: {  	v23 =	vld.idx.msk [tilespmem:v7+s12+$0x0], $0xffff  }
0x10f: {  	v25 =	vsel vm1, $0x3F800000, v0;
	v3 =	vadd.s32 v1, v17;
	v24 =	vld.idx.msk [tilespmem:v11+s12+$0x0], $0xffff  }
0x110: {  	v28 =	vmul.f32 v5, v10;
	v27 =	vsel vm2, $0x3F800000, v0;
	v6 =	vadd.s32 v1, v11;
	v26 =	vld.idx.msk [tilespmem:v14+s12+$0x0], $0xffff  }
0x111: {  	v29 =	vadd.s32 v1, v4;
	v5 =	vadd.s32 v1, v18;
	v4 =	vadd.s32 v1, v19;
	v17 =	vld.idx.msk [tilespmem:v17+s12+$0x0], $0xffff  }
0x112: {  	v30 =	vadd.s32 v1, v7;
	v7 =	vadd.s32 v1, v14;
	v11 =	vmul.f32 v8, v21;
	v18 =	vld.idx.msk [tilespmem:v18+s12+$0x0], $0xffff  }
0x113: {  	vm1 =	vgt.f32 v21, $0.0e+00;
	vm2 =	veq.s32 v9, $0x0;
	vm4 =	veq.s32 v9, $0x1;
	v8 =	vld.idx.msk [tilespmem:v19+s12+$0x0], $0xffff  }
0x114: {  	vm5 =	vlt.f32 v21, $0.0e+00;
	v14 =	vsel vm4, v21, v11;
	vm4 =	veq.s32 v23, $0x1;
	v9 =	vld.idx.msk [tilespmem:v2+s31+$0x0 ss:$0x1], $0xffff  }
0x115: {  	vm6 =	veq.s32 v23, $0x0;
	v19 =	vsel vm4, v10, v28;
	vm4 =	veq.s32 v24, $0x1;
	v11 =	vld.idx.msk [tilespmem:v2+s29+$0x0 ss:$0x1], $0xffff  }
0x116: {  	vm1 =	vmor vm1, vm5;
	v19 =	vsel vm6, v27, v19;
	v15 =	vsel vm4, v12, v15;
	v10 =	vld.idx.msk [tilespmem:v2+s30+$0x0 ss:$0x1], $0xffff  }
.Ltmp6:
0x117: {  	vm8 =	veq.s32 v24, $0x0;
	vm6 =	veq.s32 v26, $0x0;
	vm9 =	veq.s32 v26, $0x1;
	(pc) =	sbr.rel @!p4 .LBB2_6-.Ltmp6, $4  }
0x118: {  	v21 =	vsel vm1, $0x3F800000, v0;
	vm1 =	veq.s32 v17, $0x1;
	vm4 =	veq.s32 v18, $0x1;
	v12 =	vld.idx.msk [tilespmem:v2+s28+$0x0 ss:$0x1], $0xffff  }
0x119: {  	v14 =	vsel vm2, v21, v14;
	vm2 =	veq.s32 v17, $0x0;
	v13 =	vsel vm4, v13, v22  }
0x11a: {  	vm5 =	veq.s32 v18, $0x0;
	vm4 =	veq.s32 v8, $0x1;
	vm7 =	vgt.f32 v9, $0.0e+00;
	[tilespmem:v29+s14+$0x0] =	vst.idx.add.f32.msk $0xffff, v14  }
0x11b: {  	v16 =	vsel vm9, v16, v20;
	v14 =	vsel vm8, v25, v15;
	v15 =	vsel vm3, $0x3F800000, v0;
	[tilespmem:v30+s14+$0x0] =	vst.idx.add.f32.msk $0xffff, v19  }
.LBB2_7:
0x11c: {  	_ = 	snop  }
0x11d: {  	v2 =	vsel vm6, v15, v16  }
0x11e: {  	vm3 =	vlt.f32 v9, $0.0e+00;
	v11 =	vmul.f32 v11, v9;
	v59 =	vsel vm0, $0x3F800000, v0  }
0x11f: {  	vm13 =	vlt.f32 v10, $0.0e+00;
	vm3 =	vmor vm7, vm3;
	vm14 =	vgt.f32 v10, $0.0e+00  }
.Ltmp7:
0x120: {  	[tilespmem:v6+s14+$0x0] =	vst.idx.add.f32.msk $0xffff, v14;
	v12 =	vmul.f32 v12, v10;
	v60 =	vsel vm3, $0x3F800000, v0;
	v9 =	vsel vm1, v9, v11;
	(pc) =	sbr.rel @p3 .LBB2_14-.Ltmp7, $4  }
0x121: {  	vm15 =	veq.s32 v8, $0x0;
	[tilespmem:v7+s14+$0x0] =	vst.idx.add.f32.msk $0xffff, v2;
	vm0 =	vmor vm14, vm13;
	v2 =	vsel vm2, v60, v9  }
0x122: {  	v61 =	vsel vm5, v59, v13;
	v63 =	vsel vm0, $0x3F800000, v0;
	v62 =	vsel vm4, v10, v12;
	[tilespmem:v3+s14+$0x0] =	vst.idx.add.f32.msk $0xffff, v2  }
0x123: {  	v2 =	vsel vm15, v63, v62;
	[tilespmem:v5+s14+$0x0] =	vst.idx.add.f32.msk $0xffff, v61  }
0x124: {  	[tilespmem:v4+s14+$0x0] =	vst.idx.add.f32.msk $0xffff, v2  }
.Ltmp8:
0x125: {  	(pc) =	sbr.rel @!p2 .LBB2_9-.Ltmp8, $4  }
0x126: {  	s22 =	sadd.s32 $0x6A00, s21;
	s21 =	sadd.s32 $0x4988, s21  }
0x127: {  	v2 =	vld [tilespmem:s21+$0xFFFFE3F9]  }
0x128: {  	v3 =	vld [tilespmem:s21+$0xFFFFDFF8]  }
0x129: {  	p3 =	por $0x0, $0x0  }
0x12a: {  	v4 =	vld [tilespmem:s21+$0xFFFFE7FA];
	_ =	sdelay $0x1  }
0x12b: {  	v5 =	vld [tilespmem:s21+$0xFFFFEBFB]  }
0x12c: {  	v2 =	vadd.f32 v2, v3  }
0x12d: {  	v3 =	vld [tilespmem:s21+$0xFFFFEFFC]  }
0x12e: {  	v2 =	vadd.f32 v4, v2  }
0x12f: {  	v4 =	vld [tilespmem:s21+$0xFFFFF3FD]  }
0x130: {  	v2 =	vadd.f32 v5, v2  }
0x131: {  	v5 =	vld [tilespmem:s21+$0xFFFFF7FE]  }
0x132: {  	v2 =	vadd.f32 v3, v2  }
0x133: {  	v3 =	vld [tilespmem:s21+$0xFFFFFBFF]  }
0x134: {  	v2 =	vadd.f32 v4, v2  }
0x135: {  	v4 =	vld [tilespmem:s21+$0x0]  }
0x136: {  	v2 =	vadd.f32 v5, v2  }
0x137: {  	v5 =	vld [tilespmem:s21+$0x401]  }
0x138: {  	v2 =	vadd.f32 v3, v2  }
0x139: {  	v3 =	vld [tilespmem:s21+$0x802]  }
0x13a: {  	v2 =	vadd.f32 v4, v2  }
0x13b: {  	v4 =	vld [tilespmem:s21+$0xC03]  }
0x13c: {  	v2 =	vadd.f32 v5, v2  }
0x13d: {  	v5 =	vld [tilespmem:s21+$0x1004]  }
0x13e: {  	v2 =	vadd.f32 v3, v2  }
0x13f: {  	v3 =	vld [tilespmem:s21+$0x1405]  }
0x140: {  	v2 =	vadd.f32 v4, v2  }
0x141: {  	v4 =	vld [tilespmem:s21+$0x1806]  }
0x142: {  	v2 =	vadd.f32 v5, v2  }
0x143: {  	v5 =	vld [tilespmem:s21+$0x1C07]  }
0x144: {  	v2 =	vadd.f32 v3, v2;
	_ =	sdelay $0x1  }
0x145: {  	v2 =	vadd.f32 v4, v2;
	_ =	sdelay $0x1  }
0x146: {  	p2 =	sne.s32 s20, $0x1;
	v2 =	vadd.f32 v5, v2  }
.Ltmp9:
0x147: {  	_ = 	snop;
	(pc) =	sbr.rel @!p2 .LBB2_11-.Ltmp9, $4  }
0x148: {  	s21 =	sadd.s32 $0x10, s21;
	[tilespmem:s22+$0x0] =	vst v2  }
0x149: {  	v2 =	vld [tilespmem:s21+$0xFFFFE3F9]  }
0x14a: {  	v3 =	vld [tilespmem:s21+$0xFFFFDFF8]  }
0x14b: {  	s23 =	sadd.s32 $0xFFFFFFFF, s20;
	p3 =	por $0x1, $0x1;
	s20 =	smov.u32 s22  }
.LBB2_12:
0x14c: {  	p2 =	sne.s32 s23, $0x1  }
0x14d: {  	v4 =	vld [tilespmem:s21+$0xFFFFE7FA];
	_ =	sdelay $0x1  }
0x14e: {  	v5 =	vld [tilespmem:s21+$0xFFFFEBFB]  }
0x14f: {  	v2 =	vadd.f32 v2, v3  }
0x150: {  	v3 =	vld [tilespmem:s21+$0xFFFFEFFC]  }
0x151: {  	v2 =	vadd.f32 v4, v2  }
0x152: {  	v4 =	vld [tilespmem:s21+$0xFFFFF3FD]  }
0x153: {  	v2 =	vadd.f32 v5, v2  }
0x154: {  	v5 =	vld [tilespmem:s21+$0xFFFFF7FE]  }
0x155: {  	v2 =	vadd.f32 v3, v2  }
0x156: {  	v3 =	vld [tilespmem:s21+$0xFFFFFBFF]  }
0x157: {  	v2 =	vadd.f32 v4, v2  }
0x158: {  	v4 =	vld [tilespmem:s21+$0x0]  }
0x159: {  	v2 =	vadd.f32 v5, v2  }
0x15a: {  	v5 =	vld [tilespmem:s21+$0x401]  }
0x15b: {  	v2 =	vadd.f32 v3, v2  }
0x15c: {  	v3 =	vld [tilespmem:s21+$0x802]  }
0x15d: {  	v2 =	vadd.f32 v4, v2  }
0x15e: {  	v4 =	vld [tilespmem:s21+$0xC03]  }
0x15f: {  	v2 =	vadd.f32 v5, v2  }
0x160: {  	v5 =	vld [tilespmem:s21+$0x1004]  }
0x161: {  	v2 =	vadd.f32 v3, v2  }
0x162: {  	v3 =	vld [tilespmem:s21+$0x1405]  }
0x163: {  	v2 =	vadd.f32 v4, v2  }
0x164: {  	v4 =	vld [tilespmem:s21+$0x1806]  }
0x165: {  	v2 =	vadd.f32 v5, v2  }
0x166: {  	v5 =	vld [tilespmem:s21+$0x1C07]  }
0x167: {  	v2 =	vadd.f32 v3, v2;
	_ =	sdelay $0x1  }
0x168: {  	v2 =	vadd.f32 v4, v2;
	_ =	sdelay $0x1  }
.Ltmp10:
0x169: {  	v2 =	vadd.f32 v5, v2;
	(pc) =	sbr.rel @p2 .LBB2_12-.Ltmp10, $4  }
0x16a: {  	s20 =	sadd.s32 $0x10, s20  }
0x16b: {  	s21 =	sadd.s32 $0x10, s21;
	[tilespmem:s20+$0x0] =	vst v2  }
0x16c: {  	v2 =	vld [tilespmem:s21+$0xFFFFE3F9]  }
0x16d: {  	s23 =	sadd.s32 $0xFFFFFFFF, s23;
	v3 =	vld [tilespmem:s21+$0xFFFFDFF8]  }
.Ltmp11:
0x16e: {  	_ = 	snop;
	(pc) =	sbr.rel .LBB2_13-.Ltmp11, $1  }
0x16f: {  	_ =	sdelay $0x3  }
.LBB2_11:
.Ltmp12:
0x170: {  	(pc) =	sbr.rel .LBB2_13-.Ltmp12, $2  }
0x171: {  	_ =	sdelay $0x2  }
0x172: {  	s20 =	smov.u32 s22  }
.LBB2_15:
0x173: {  	_ =	sfence.sel $0x180000  }
0x174: {  	[bflag:$0x0] =	sbarrier.arrive $0xFFFF  }
0x175: {  	_ =	strace $0x90000047  }
0x176: {  	s0 =	stileid.u32;
	[bflag:$0x2] =	sbarrier.arrive $0xFFFF  }
0x177: {  	p0 =	sne.s32 s0, $0x0;
	s0 =	rddreg [dreg:$0x5]  }
0x178: {  	s0 =	sadd.s32 @!p0 $0x100000, s0  }
0x179: {  	[sflag:s0] =	ssyncadd.tile.s32 @!p0 $0x1;
	_ =	shalt  }
.Lfunc_end2:
_tile_overlayer_lowered:
.L_overlay_start_2:
0x17a: {  	(tag) =	ssettag $0x2  }
0x17b: {  	s0 =	rddreg [dreg:$0x0];
	s2 =	stileid.u32  }
0x17c: {  	s1 =	rddreg [dreg:$0x1];
	p0 =	sne.s32 s2, $0x0  }
0x17d: {  	s3 =	rddreg [dreg:$0x2];
	[bflag:$0x3] =	sbarrier.arrive $0xFFFF;
	s2 =	simm.s32 @!p0 $0x1C05  }
0x17e: {  	[timem:s3], [sflag:s2] =	dma.local @!p0 [hbm:s0], s1  }
0x17f: {  	s0 =	simm.s32 @!p0 $0x5  }
0x180: {  	_ =	swait.ge @!p0 [sflag:s0], s1  }
0x181: {  	s1 =	ssub.s32 @!p0 $0x0, s1;
	[sflag:s0] =	ssyncset.done @!p0 $0x0  }
0x182: {  	[sflag:s0] =	ssyncadd.s32 @!p0 s1  }
0x183: {  	[bflag:$0x3] =	sbarrier.arrive $0xFFFF  }
0x184: {  	_ =	shalt  }

</sc_bundles>
